<compile_context>
chip_gen: v7x
topology: tpu7x:2x2x1
jax: 0.10.2.dev20260603
libtpu: 0.0.44.dev20260713+nightly
codegen_flags: <defaults>
</compile_context>

<pallas_src>
import functools

import jax
import jax.numpy as jnp
from jax.experimental import pallas as pl
from jax.experimental.pallas import tpu as pltpu
from jax.experimental.pallas import tpu_sc as plsc

_TILE = 256
_CHUNK = 512


def _dispatch_kernel(x_ref, wr_ref, br_ref,
                     pos0_ref, pos1_ref, g0_ref, g1_ref, te_ref, tv_ref):
    S, D = x_ref.shape
    E = wr_ref.shape[1]
    T = _TILE
    f32 = jnp.float32
    hi = jax.lax.Precision.HIGHEST

    x = x_ref[...]
    logits = (jnp.dot(x, wr_ref[...], preferred_element_type=f32)
              + br_ref[...][None, :])
    m = jnp.max(logits, axis=-1, keepdims=True)
    ex = jnp.exp(logits - m)
    p = ex / jnp.sum(ex, axis=-1, keepdims=True)

    lane = jax.lax.broadcasted_iota(jnp.int32, (S, E), 1)
    i1 = jnp.argmax(p, axis=-1)[:, None]
    m1 = jnp.max(p, axis=-1, keepdims=True)
    sel1 = lane == i1
    pr = jnp.where(sel1, -1.0, p)
    i2 = jnp.argmax(pr, axis=-1)[:, None]
    m2 = jnp.max(pr, axis=-1, keepdims=True)
    sel2 = lane == i2
    den = m1 + m2
    g0 = m1 / den
    g1 = m2 / den

    M1 = sel1.astype(jnp.bfloat16)
    M2 = sel2.astype(jnp.bfloat16)
    M = (M1 + M2).astype(jnp.bfloat16)

    RC = 512
    L_r = jax.lax.broadcasted_iota(jnp.int32, (RC, RC), 0)
    L_c = jax.lax.broadcasted_iota(jnp.int32, (RC, RC), 1)
    Lstrict = (L_c < L_r).astype(jnp.bfloat16)
    rank_chunks = []
    carry = jnp.zeros((1, E), f32)
    for ci in range(S // RC):
        Mc = M[ci * RC:(ci + 1) * RC, :]
        within = jnp.dot(Lstrict, Mc, preferred_element_type=f32)
        rank_chunks.append(within + carry)
        carry = carry + jnp.sum(Mc.astype(f32), axis=0, keepdims=True)
    rank = jnp.concatenate(rank_chunks, axis=0)
    cnt = carry

    ntiles = jnp.ceil(cnt / T)
    padcnt = ntiles * T
    e_r = jax.lax.broadcasted_iota(jnp.int32, (E, E), 0)
    e_c = jax.lax.broadcasted_iota(jnp.int32, (E, E), 1)
    excl = (e_r < e_c).astype(f32)
    off = jnp.dot(padcnt, excl, preferred_element_type=f32,
                  precision=hi)

    slot = off + rank
    pos0 = jnp.sum(jnp.where(sel1, slot, 0.0), axis=1, keepdims=True)
    pos1 = jnp.sum(jnp.where(sel2, slot, 0.0), axis=1, keepdims=True)
    pos0_ref[...] = pos0.astype(jnp.int32)
    pos1_ref[...] = pos1.astype(jnp.int32)
    g0_ref[...] = g0
    g1_ref[...] = g1

    NT = te_ref.shape[1]
    ti = jax.lax.broadcasted_iota(jnp.int32, (1, NT), 1).astype(f32)
    tstart = off / T
    e_lane = jax.lax.broadcasted_iota(jnp.int32, (1, E), 1)
    te = jnp.zeros((1, NT), f32)
    for e in range(E):
        s_e = jnp.sum(jnp.where(e_lane == e, tstart, 0.0),
                      axis=1, keepdims=True)
        te = te + (ti >= s_e).astype(f32)
    te_ref[...] = (te - 1.0).astype(jnp.int32)
    total_tiles = jnp.sum(ntiles, axis=1, keepdims=True)
    tv_ref[...] = (ti < total_tiles).astype(jnp.int32)


def _add_kernel(a_ref, b_ref, g0_ref, g1_ref, o_ref):
    o_ref[...] = a_ref[...] * g0_ref[...] + b_ref[...] * g1_ref[...]


def _group_mm_kernel(te_ref, tv_ref, xs_ref, w1_ref, b1_ref, w2_ref, b2_ref,
                     ys_ref):
    i = pl.program_id(0)

    @pl.when(tv_ref[i] == 1)
    def _():
        xt = xs_ref[...].astype(jnp.bfloat16)
        h = jnp.dot(xt, w1_ref[0], preferred_element_type=jnp.float32)
        h = jnp.maximum(h + b1_ref[0], 0.0).astype(jnp.bfloat16)
        o = jnp.dot(h, w2_ref[0], preferred_element_type=jnp.float32)
        ys_ref[...] = o + b2_ref[0]


def _make_sc_dispatch(S, PP, D):
    info = plsc.get_sparse_core_info()
    nw = info.num_cores * info.num_subcores
    tpw = S // nw
    mesh = plsc.VectorSubcoreMesh(core_axis_name="c", subcore_axis_name="s")

    @functools.partial(
        pl.kernel, mesh=mesh,
        out_type=jax.ShapeDtypeStruct((PP, D), jnp.float32),
        scratch_types=[
            pltpu.VMEM((tpw,), jnp.int32),
            pltpu.VMEM((tpw,), jnp.int32),
            pltpu.VMEM((tpw, D), jnp.float32),
            pltpu.SemaphoreType.DMA,
            pltpu.SemaphoreType.DMA,
        ],
    )
    def k(x_hbm, p0_hbm, p1_hbm, xs_hbm, i0_v, i1_v, rows_v, s0, s1):
        c = jax.lax.axis_index("c")
        s = jax.lax.axis_index("s")
        base = (s * info.num_cores + c) * tpw
        pltpu.sync_copy(p0_hbm.at[pl.ds(base, tpw)], i0_v)
        pltpu.sync_copy(p1_hbm.at[pl.ds(base, tpw)], i1_v)
        pltpu.sync_copy(x_hbm.at[pl.ds(base, tpw)], rows_v)
        c0 = pltpu.async_copy(rows_v, xs_hbm.at[i0_v], s0)
        c1 = pltpu.async_copy(rows_v, xs_hbm.at[i1_v], s1)
        c0.wait()
        c1.wait()

    return k


def _make_sc_combine(S, PP, D):
    info = plsc.get_sparse_core_info()
    nw = info.num_cores * info.num_subcores
    tpw = S // nw
    mesh = plsc.VectorSubcoreMesh(core_axis_name="c", subcore_axis_name="s")

    @functools.partial(
        pl.kernel, mesh=mesh,
        out_type=(
            jax.ShapeDtypeStruct((S, D), jnp.float32),
            jax.ShapeDtypeStruct((S, D), jnp.float32),
        ),
        scratch_types=[
            pltpu.VMEM((tpw,), jnp.int32),
            pltpu.VMEM((tpw,), jnp.int32),
            pltpu.VMEM((tpw, D), jnp.float32),
            pltpu.VMEM((tpw, D), jnp.float32),
            pltpu.SemaphoreType.DMA,
            pltpu.SemaphoreType.DMA,
        ],
    )
    def k(ys_hbm, p0_hbm, p1_hbm, ya_hbm, yb_hbm,
          i0_v, i1_v, r0_v, r1_v, s0, s1):
        c = jax.lax.axis_index("c")
        s = jax.lax.axis_index("s")
        base = (s * info.num_cores + c) * tpw
        pltpu.sync_copy(p0_hbm.at[pl.ds(base, tpw)], i0_v)
        pltpu.sync_copy(p1_hbm.at[pl.ds(base, tpw)], i1_v)
        c0 = pltpu.async_copy(ys_hbm.at[i0_v], r0_v, s0)
        c1 = pltpu.async_copy(ys_hbm.at[i1_v], r1_v, s1)
        c0.wait()
        c1.wait()
        pltpu.sync_copy(r0_v, ya_hbm.at[pl.ds(base, tpw)])
        pltpu.sync_copy(r1_v, yb_hbm.at[pl.ds(base, tpw)])

    return k


@jax.jit
def kernel(x, Wr, br, W1, b1, W2, b2):
    B, S, D = x.shape
    E = Wr.shape[1]
    H = W1.shape[2]
    T = _TILE
    MAX_TILES = (2 * S) // T + E
    PP = MAX_TILES * T
    NT = 128

    xs_flat = x.reshape(B * S, D)

    pos0, pos1, g0, g1, te, tv = pl.pallas_call(
        _dispatch_kernel,
        out_shape=(
            jax.ShapeDtypeStruct((B * S, 1), jnp.int32),
            jax.ShapeDtypeStruct((B * S, 1), jnp.int32),
            jax.ShapeDtypeStruct((B * S, 1), jnp.float32),
            jax.ShapeDtypeStruct((B * S, 1), jnp.float32),
            jax.ShapeDtypeStruct((1, NT), jnp.int32),
            jax.ShapeDtypeStruct((1, NT), jnp.int32),
        ),
    )(xs_flat, Wr, br)

    xs = _make_sc_dispatch(B * S, PP, D)(
        xs_flat, pos0.reshape(B * S), pos1.reshape(B * S))

    w1_16 = W1.astype(jnp.bfloat16)
    w2_16 = W2.astype(jnp.bfloat16)

    ys = pl.pallas_call(
        _group_mm_kernel,
        grid_spec=pltpu.PrefetchScalarGridSpec(
            num_scalar_prefetch=2,
            grid=(MAX_TILES,),
            in_specs=[
                pl.BlockSpec((T, D), lambda i, te, tv: (i, 0)),
                pl.BlockSpec((1, D, H), lambda i, te, tv: (te[i], 0, 0)),
                pl.BlockSpec((1, 1, H), lambda i, te, tv: (te[i], 0, 0)),
                pl.BlockSpec((1, H, D), lambda i, te, tv: (te[i], 0, 0)),
                pl.BlockSpec((1, 1, D), lambda i, te, tv: (te[i], 0, 0)),
            ],
            out_specs=pl.BlockSpec((T, D), lambda i, te, tv: (i, 0)),
        ),
        out_shape=jax.ShapeDtypeStruct((PP, D), jnp.float32),
        compiler_params=pltpu.CompilerParams(
            dimension_semantics=("arbitrary",),
        ),
    )(te[0, :MAX_TILES], tv[0, :MAX_TILES], xs,
      w1_16, b1.reshape(E, 1, H), w2_16, b2.reshape(E, 1, D))

    ya, yb = _make_sc_combine(B * S, PP, D)(
        ys, pos0.reshape(B * S), pos1.reshape(B * S))

    NB = 512
    out = pl.pallas_call(
        _add_kernel,
        grid=((B * S) // NB,),
        in_specs=[
            pl.BlockSpec((NB, D), lambda i: (i, 0)),
            pl.BlockSpec((NB, D), lambda i: (i, 0)),
            pl.BlockSpec((NB, 1), lambda i: (i, 0)),
            pl.BlockSpec((NB, 1), lambda i: (i, 0)),
        ],
        out_specs=pl.BlockSpec((NB, D), lambda i: (i, 0)),
        out_shape=jax.ShapeDtypeStruct((B * S, D), jnp.float32),
    )(ya, yb, g0, g1)
    return out.reshape(B, S, D)

# --- scband reference (transcript-rebuilt; emitter-appended) ---
"""Pipeline reference for scband-mo-e-37211596653141 (READ-ONLY COPY).

The authoritative reference and input builder live on the scoring server;
editing this copy changes nothing except your own understanding.
"""

import jax, jax.numpy as jnp
import numpy as np

B, S, D, H, E, TOP_K = 1, 2048, 768, 3072, 8, 2


def setup_inputs(seed: int = 0) -> dict:
    key = jax.random.key(seed)
    ks = jax.random.split(key, 8)
    x = jax.random.normal(ks[0], (B, S, D), dtype=jnp.float32)
    Wr = jax.random.normal(ks[1], (D, E), dtype=jnp.float32) * 0.02
    br = jnp.zeros((E,), dtype=jnp.float32)
    W1 = jax.random.normal(ks[2], (E, D, H), dtype=jnp.float32) * 0.02
    b1 = jnp.zeros((E, H), dtype=jnp.float32)
    W2 = jax.random.normal(ks[3], (E, H, D), dtype=jnp.float32) * 0.02
    b2 = jnp.zeros((E, D), dtype=jnp.float32)
    return {"x": x, "Wr": Wr, "br": br, "W1": W1, "b1": b1, "W2": W2, "b2": b2}


def reference(x, Wr, br, W1, b1, W2, b2):
    # Router: softmax over experts
    logits = x @ Wr + br                      # (B, S, E)
    routing_weights = jax.nn.softmax(logits, axis=-1)
    # Top-k over expert dim (dim=2 in the torch code)
    topk_vals, topk_idx = jax.lax.top_k(routing_weights, TOP_K)   # (B, S, k)
    topk_vals_normalized = topk_vals / jnp.sum(topk_vals, axis=-1, keepdims=True)
    output = jnp.zeros_like(x)
    n_experts = Wr.shape[-1]
    for i in range(n_experts):
        mask_k = (topk_idx == i)                                  # (B, S, k) bool
        token_mask = jnp.any(mask_k, axis=-1).astype(x.dtype)     # (B, S)
        # gate for expert i: normalized top-k weight where selected, else 0
        gate = jnp.sum(mask_k.astype(x.dtype) * topk_vals_normalized, axis=-1)  # (B, S)
        inputs_to_expert = x * token_mask[..., None]              # zero-out unrouted tokens
        h = jax.nn.relu(inputs_to_expert @ W1[i] + b1[i])
        expert_output = h @ W2[i] + b2[i]
        output = output + expert_output * gate[..., None]
    return output

if __name__ == "__main__":
    import jax
    _d = setup_inputs()
    print(jax.jit(kernel)(*tuple(_d.values())))

</pallas_src>

<mosaic_0001>
#map = affine_map<(d0, d1) -> (0, 0)>
#map1 = affine_map<(d0, d1) -> (0)>
module attributes {stable_mosaic.version = 14 : i64} {
  func.func @k(%arg0: i32, %arg1: i32, %arg2: memref<6144x768xf32, #tpu.memory_space<hbm>>, %arg3: memref<2048xi32, #tpu.memory_space<hbm>>, %arg4: memref<2048xi32, #tpu.memory_space<hbm>>, %arg5: memref<2048x768xf32, #tpu.memory_space<hbm>>, %arg6: memref<2048x768xf32, #tpu.memory_space<hbm>>, %arg7: memref<64xi32, #tpu.memory_space<vmem>>, %arg8: memref<64xi32, #tpu.memory_space<vmem>>, %arg9: memref<64x768xf32, #tpu.memory_space<vmem>>, %arg10: memref<64x768xf32, #tpu.memory_space<vmem>>, %arg11: memref<!tpu.dma_semaphore, #tpu.memory_space<semaphore_mem>>, %arg12: memref<!tpu.dma_semaphore, #tpu.memory_space<semaphore_mem>>) attributes {dimension_semantics = [#tpu.dimension_semantics<core_parallel>, #tpu.dimension_semantics<subcore_parallel>], iteration_bounds = array<i64: 2, 16>, scalar_prefetch = 0 : i64, scratch_operands = 6 : i64, tpu.core_type = #tpu.core_type<sc_vector_subcore>, window_params = [{transform_indices = #map}, {transform_indices = #map1}, {transform_indices = #map1}, {transform_indices = #map}, {transform_indices = #map}]} {
    %mul3A = arith.constant 2 : i32
    %mul3A_0 = arith.muli %arg1, %mul3A : i32
    %add3A = arith.addi %mul3A_0, %arg0 : i32
    %mul3A_1 = arith.constant 64 : i32
    %mul3A_2 = arith.muli %add3A, %mul3A_1 : i32
    "tpu.region"() ({
      %run_scoped3A = tpu.sem_alloc : memref<!tpu.dma_semaphore, #tpu.memory_space<semaphore_mem>>
      %dma_start3A_13 = tpu.memref_slice %arg3[%mul3A_2] : memref<2048xi32, #tpu.memory_space<hbm>> -> memref<64xi32, #tpu.memory_space<hbm>>
      %dma_start3A_14 = tpu.memref_slice %arg3[%mul3A_2] : memref<2048xi32, #tpu.memory_space<hbm>> -> memref<64xi32, #tpu.memory_space<hbm>>
      tpu.enqueue_dma source(%dma_start3A_14 : memref<64xi32, #tpu.memory_space<hbm>>) target(%arg7 : memref<64xi32, #tpu.memory_space<vmem>>) target_semaphore(%run_scoped3A : memref<!tpu.dma_semaphore, #tpu.memory_space<semaphore_mem>>)
      %dma_wait3A_15 = tpu.memref_slice %arg3[%mul3A_2] : memref<2048xi32, #tpu.memory_space<hbm>> -> memref<64xi32, #tpu.memory_space<hbm>>
      %dma_wait3A_16 = tpu.memref_slice %arg3[%mul3A_2] : memref<2048xi32, #tpu.memory_space<hbm>> -> memref<64xi32, #tpu.memory_space<hbm>>
      tpu.wait_dma2 semaphore(%run_scoped3A : memref<!tpu.dma_semaphore, #tpu.memory_space<semaphore_mem>>) src(%dma_wait3A_16 : memref<64xi32, #tpu.memory_space<hbm>>) dst(%arg7 : memref<64xi32, #tpu.memory_space<vmem>>)
      tpu.yield
    }) : () -> ()
    "tpu.region"() ({
      %run_scoped3A = tpu.sem_alloc : memref<!tpu.dma_semaphore, #tpu.memory_space<semaphore_mem>>
      %dma_start3A_13 = tpu.memref_slice %arg4[%mul3A_2] : memref<2048xi32, #tpu.memory_space<hbm>> -> memref<64xi32, #tpu.memory_space<hbm>>
      %dma_start3A_14 = tpu.memref_slice %arg4[%mul3A_2] : memref<2048xi32, #tpu.memory_space<hbm>> -> memref<64xi32, #tpu.memory_space<hbm>>
      tpu.enqueue_dma source(%dma_start3A_14 : memref<64xi32, #tpu.memory_space<hbm>>) target(%arg8 : memref<64xi32, #tpu.memory_space<vmem>>) target_semaphore(%run_scoped3A : memref<!tpu.dma_semaphore, #tpu.memory_space<semaphore_mem>>)
      %dma_wait3A_15 = tpu.memref_slice %arg4[%mul3A_2] : memref<2048xi32, #tpu.memory_space<hbm>> -> memref<64xi32, #tpu.memory_space<hbm>>
      %dma_wait3A_16 = tpu.memref_slice %arg4[%mul3A_2] : memref<2048xi32, #tpu.memory_space<hbm>> -> memref<64xi32, #tpu.memory_space<hbm>>
      tpu.wait_dma2 semaphore(%run_scoped3A : memref<!tpu.dma_semaphore, #tpu.memory_space<semaphore_mem>>) src(%dma_wait3A_16 : memref<64xi32, #tpu.memory_space<hbm>>) dst(%arg8 : memref<64xi32, #tpu.memory_space<vmem>>)
      tpu.yield
    }) : () -> ()
    %dma_start3A = arith.constant 0 : i32
    %dma_start3A_3 = arith.constant 0 : i32
    %dma_start3A_4 = tpu.memref_slice %arg2[%dma_start3A, %dma_start3A_3] : memref<6144x768xf32, #tpu.memory_space<hbm>> -> memref<6144x768xf32, #tpu.memory_space<hbm>>
    tpu.enqueue_indirect_dma source(%dma_start3A_4 : memref<6144x768xf32, #tpu.memory_space<hbm>>) target(%arg9 : memref<64x768xf32, #tpu.memory_space<vmem>>) offsets(%arg7 : memref<64xi32, #tpu.memory_space<vmem>>) semaphore(%arg11 : memref<!tpu.dma_semaphore, #tpu.memory_space<semaphore_mem>>)
    %dma_start3A_5 = arith.constant 0 : i32
    %dma_start3A_6 = arith.constant 0 : i32
    %dma_start3A_7 = tpu.memref_slice %arg2[%dma_start3A_5, %dma_start3A_6] : memref<6144x768xf32, #tpu.memory_space<hbm>> -> memref<6144x768xf32, #tpu.memory_space<hbm>>
    tpu.enqueue_indirect_dma source(%dma_start3A_7 : memref<6144x768xf32, #tpu.memory_space<hbm>>) target(%arg10 : memref<64x768xf32, #tpu.memory_space<vmem>>) offsets(%arg8 : memref<64xi32, #tpu.memory_space<vmem>>) semaphore(%arg12 : memref<!tpu.dma_semaphore, #tpu.memory_space<semaphore_mem>>)
    %dma_wait3A = arith.constant 0 : i32
    %dma_wait3A_8 = arith.constant 0 : i32
    %dma_wait3A_9 = tpu.memref_slice %arg2[%dma_wait3A, %dma_wait3A_8] : memref<6144x768xf32, #tpu.memory_space<hbm>> -> memref<6144x768xf32, #tpu.memory_space<hbm>>
    tpu.wait_indirect_dma semaphore(%arg11 : memref<!tpu.dma_semaphore, #tpu.memory_space<semaphore_mem>>) src(%dma_wait3A_9 : memref<6144x768xf32, #tpu.memory_space<hbm>>) dst(%arg9 : memref<64x768xf32, #tpu.memory_space<vmem>>)
    %dma_wait3A_10 = arith.constant 0 : i32
    %dma_wait3A_11 = arith.constant 0 : i32
    %dma_wait3A_12 = tpu.memref_slice %arg2[%dma_wait3A_10, %dma_wait3A_11] : memref<6144x768xf32, #tpu.memory_space<hbm>> -> memref<6144x768xf32, #tpu.memory_space<hbm>>
    tpu.wait_indirect_dma semaphore(%arg12 : memref<!tpu.dma_semaphore, #tpu.memory_space<semaphore_mem>>) src(%dma_wait3A_12 : memref<6144x768xf32, #tpu.memory_space<hbm>>) dst(%arg10 : memref<64x768xf32, #tpu.memory_space<vmem>>)
    "tpu.region"() ({
      %run_scoped3A = tpu.sem_alloc : memref<!tpu.dma_semaphore, #tpu.memory_space<semaphore_mem>>
      %dma_start3A_13 = arith.constant 0 : i32
      %dma_start3A_14 = tpu.memref_slice %arg5[%mul3A_2, %dma_start3A_13] : memref<2048x768xf32, #tpu.memory_space<hbm>> -> memref<64x768xf32, #tpu.memory_space<hbm>>
      %dma_start3A_15 = arith.constant 0 : i32
      %dma_start3A_16 = tpu.memref_slice %arg5[%mul3A_2, %dma_start3A_15] : memref<2048x768xf32, #tpu.memory_space<hbm>> -> memref<64x768xf32, #tpu.memory_space<hbm>>
      tpu.enqueue_dma source(%arg9 : memref<64x768xf32, #tpu.memory_space<vmem>>) target(%dma_start3A_16 : memref<64x768xf32, #tpu.memory_space<hbm>>) target_semaphore(%run_scoped3A : memref<!tpu.dma_semaphore, #tpu.memory_space<semaphore_mem>>)
      %dma_wait3A_17 = arith.constant 0 : i32
      %dma_wait3A_18 = tpu.memref_slice %arg5[%mul3A_2, %dma_wait3A_17] : memref<2048x768xf32, #tpu.memory_space<hbm>> -> memref<64x768xf32, #tpu.memory_space<hbm>>
      %dma_wait3A_19 = arith.constant 0 : i32
      %dma_wait3A_20 = tpu.memref_slice %arg5[%mul3A_2, %dma_wait3A_19] : memref<2048x768xf32, #tpu.memory_space<hbm>> -> memref<64x768xf32, #tpu.memory_space<hbm>>
      tpu.wait_dma2 semaphore(%run_scoped3A : memref<!tpu.dma_semaphore, #tpu.memory_space<semaphore_mem>>) src(%arg9 : memref<64x768xf32, #tpu.memory_space<vmem>>) dst(%dma_wait3A_20 : memref<64x768xf32, #tpu.memory_space<hbm>>)
      tpu.yield
    }) : () -> ()
    "tpu.region"() ({
      %run_scoped3A = tpu.sem_alloc : memref<!tpu.dma_semaphore, #tpu.memory_space<semaphore_mem>>
      %dma_start3A_13 = arith.constant 0 : i32
      %dma_start3A_14 = tpu.memref_slice %arg6[%mul3A_2, %dma_start3A_13] : memref<2048x768xf32, #tpu.memory_space<hbm>> -> memref<64x768xf32, #tpu.memory_space<hbm>>
      %dma_start3A_15 = arith.constant 0 : i32
      %dma_start3A_16 = tpu.memref_slice %arg6[%mul3A_2, %dma_start3A_15] : memref<2048x768xf32, #tpu.memory_space<hbm>> -> memref<64x768xf32, #tpu.memory_space<hbm>>
      tpu.enqueue_dma source(%arg10 : memref<64x768xf32, #tpu.memory_space<vmem>>) target(%dma_start3A_16 : memref<64x768xf32, #tpu.memory_space<hbm>>) target_semaphore(%run_scoped3A : memref<!tpu.dma_semaphore, #tpu.memory_space<semaphore_mem>>)
      %dma_wait3A_17 = arith.constant 0 : i32
      %dma_wait3A_18 = tpu.memref_slice %arg6[%mul3A_2, %dma_wait3A_17] : memref<2048x768xf32, #tpu.memory_space<hbm>> -> memref<64x768xf32, #tpu.memory_space<hbm>>
      %dma_wait3A_19 = arith.constant 0 : i32
      %dma_wait3A_20 = tpu.memref_slice %arg6[%mul3A_2, %dma_wait3A_19] : memref<2048x768xf32, #tpu.memory_space<hbm>> -> memref<64x768xf32, #tpu.memory_space<hbm>>
      tpu.wait_dma2 semaphore(%run_scoped3A : memref<!tpu.dma_semaphore, #tpu.memory_space<semaphore_mem>>) src(%arg10 : memref<64x768xf32, #tpu.memory_space<vmem>>) dst(%dma_wait3A_20 : memref<64x768xf32, #tpu.memory_space<hbm>>)
      tpu.yield
    }) : () -> ()
    return
  }
}

#map = affine_map<(d0, d1) -> (0, 0)>
#map1 = affine_map<(d0, d1) -> (0)>
module attributes {stable_mosaic.version = 14 : i64} {
  func.func @k(%arg0: i32, %arg1: i32, %arg2: memref<2048x768xf32, #tpu.memory_space<hbm>>, %arg3: memref<2048xi32, #tpu.memory_space<hbm>>, %arg4: memref<2048xi32, #tpu.memory_space<hbm>>, %arg5: memref<6144x768xf32, #tpu.memory_space<hbm>>, %arg6: memref<64xi32, #tpu.memory_space<vmem>>, %arg7: memref<64xi32, #tpu.memory_space<vmem>>, %arg8: memref<64x768xf32, #tpu.memory_space<vmem>>, %arg9: memref<!tpu.dma_semaphore, #tpu.memory_space<semaphore_mem>>, %arg10: memref<!tpu.dma_semaphore, #tpu.memory_space<semaphore_mem>>) attributes {dimension_semantics = [#tpu.dimension_semantics<core_parallel>, #tpu.dimension_semantics<subcore_parallel>], iteration_bounds = array<i64: 2, 16>, scalar_prefetch = 0 : i64, scratch_operands = 5 : i64, tpu.core_type = #tpu.core_type<sc_vector_subcore>, window_params = [{transform_indices = #map}, {transform_indices = #map1}, {transform_indices = #map1}, {transform_indices = #map}]} {
    %mul3A = arith.constant 2 : i32
    %mul3A_0 = arith.muli %arg1, %mul3A : i32
    %add3A = arith.addi %mul3A_0, %arg0 : i32
    %mul3A_1 = arith.constant 64 : i32
    %mul3A_2 = arith.muli %add3A, %mul3A_1 : i32
    "tpu.region"() ({
      %run_scoped3A = tpu.sem_alloc : memref<!tpu.dma_semaphore, #tpu.memory_space<semaphore_mem>>
      %dma_start3A_13 = tpu.memref_slice %arg3[%mul3A_2] : memref<2048xi32, #tpu.memory_space<hbm>> -> memref<64xi32, #tpu.memory_space<hbm>>
      %dma_start3A_14 = tpu.memref_slice %arg3[%mul3A_2] : memref<2048xi32, #tpu.memory_space<hbm>> -> memref<64xi32, #tpu.memory_space<hbm>>
      tpu.enqueue_dma source(%dma_start3A_14 : memref<64xi32, #tpu.memory_space<hbm>>) target(%arg6 : memref<64xi32, #tpu.memory_space<vmem>>) target_semaphore(%run_scoped3A : memref<!tpu.dma_semaphore, #tpu.memory_space<semaphore_mem>>)
      %dma_wait3A_15 = tpu.memref_slice %arg3[%mul3A_2] : memref<2048xi32, #tpu.memory_space<hbm>> -> memref<64xi32, #tpu.memory_space<hbm>>
      %dma_wait3A_16 = tpu.memref_slice %arg3[%mul3A_2] : memref<2048xi32, #tpu.memory_space<hbm>> -> memref<64xi32, #tpu.memory_space<hbm>>
      tpu.wait_dma2 semaphore(%run_scoped3A : memref<!tpu.dma_semaphore, #tpu.memory_space<semaphore_mem>>) src(%dma_wait3A_16 : memref<64xi32, #tpu.memory_space<hbm>>) dst(%arg6 : memref<64xi32, #tpu.memory_space<vmem>>)
      tpu.yield
    }) : () -> ()
    "tpu.region"() ({
      %run_scoped3A = tpu.sem_alloc : memref<!tpu.dma_semaphore, #tpu.memory_space<semaphore_mem>>
      %dma_start3A_13 = tpu.memref_slice %arg4[%mul3A_2] : memref<2048xi32, #tpu.memory_space<hbm>> -> memref<64xi32, #tpu.memory_space<hbm>>
      %dma_start3A_14 = tpu.memref_slice %arg4[%mul3A_2] : memref<2048xi32, #tpu.memory_space<hbm>> -> memref<64xi32, #tpu.memory_space<hbm>>
      tpu.enqueue_dma source(%dma_start3A_14 : memref<64xi32, #tpu.memory_space<hbm>>) target(%arg7 : memref<64xi32, #tpu.memory_space<vmem>>) target_semaphore(%run_scoped3A : memref<!tpu.dma_semaphore, #tpu.memory_space<semaphore_mem>>)
      %dma_wait3A_15 = tpu.memref_slice %arg4[%mul3A_2] : memref<2048xi32, #tpu.memory_space<hbm>> -> memref<64xi32, #tpu.memory_space<hbm>>
      %dma_wait3A_16 = tpu.memref_slice %arg4[%mul3A_2] : memref<2048xi32, #tpu.memory_space<hbm>> -> memref<64xi32, #tpu.memory_space<hbm>>
      tpu.wait_dma2 semaphore(%run_scoped3A : memref<!tpu.dma_semaphore, #tpu.memory_space<semaphore_mem>>) src(%dma_wait3A_16 : memref<64xi32, #tpu.memory_space<hbm>>) dst(%arg7 : memref<64xi32, #tpu.memory_space<vmem>>)
      tpu.yield
    }) : () -> ()
    "tpu.region"() ({
      %run_scoped3A = tpu.sem_alloc : memref<!tpu.dma_semaphore, #tpu.memory_space<semaphore_mem>>
      %dma_start3A_13 = arith.constant 0 : i32
      %dma_start3A_14 = tpu.memref_slice %arg2[%mul3A_2, %dma_start3A_13] : memref<2048x768xf32, #tpu.memory_space<hbm>> -> memref<64x768xf32, #tpu.memory_space<hbm>>
      %dma_start3A_15 = arith.constant 0 : i32
      %dma_start3A_16 = tpu.memref_slice %arg2[%mul3A_2, %dma_start3A_15] : memref<2048x768xf32, #tpu.memory_space<hbm>> -> memref<64x768xf32, #tpu.memory_space<hbm>>
      tpu.enqueue_dma source(%dma_start3A_16 : memref<64x768xf32, #tpu.memory_space<hbm>>) target(%arg8 : memref<64x768xf32, #tpu.memory_space<vmem>>) target_semaphore(%run_scoped3A : memref<!tpu.dma_semaphore, #tpu.memory_space<semaphore_mem>>)
      %dma_wait3A_17 = arith.constant 0 : i32
      %dma_wait3A_18 = tpu.memref_slice %arg2[%mul3A_2, %dma_wait3A_17] : memref<2048x768xf32, #tpu.memory_space<hbm>> -> memref<64x768xf32, #tpu.memory_space<hbm>>
      %dma_wait3A_19 = arith.constant 0 : i32
      %dma_wait3A_20 = tpu.memref_slice %arg2[%mul3A_2, %dma_wait3A_19] : memref<2048x768xf32, #tpu.memory_space<hbm>> -> memref<64x768xf32, #tpu.memory_space<hbm>>
      tpu.wait_dma2 semaphore(%run_scoped3A : memref<!tpu.dma_semaphore, #tpu.memory_space<semaphore_mem>>) src(%dma_wait3A_20 : memref<64x768xf32, #tpu.memory_space<hbm>>) dst(%arg8 : memref<64x768xf32, #tpu.memory_space<vmem>>)
      tpu.yield
    }) : () -> ()
    %dma_start3A = arith.constant 0 : i32
    %dma_start3A_3 = arith.constant 0 : i32
    %dma_start3A_4 = tpu.memref_slice %arg5[%dma_start3A, %dma_start3A_3] : memref<6144x768xf32, #tpu.memory_space<hbm>> -> memref<6144x768xf32, #tpu.memory_space<hbm>>
    tpu.enqueue_indirect_dma source(%arg8 : memref<64x768xf32, #tpu.memory_space<vmem>>) target(%dma_start3A_4 : memref<6144x768xf32, #tpu.memory_space<hbm>>) offsets(%arg6 : memref<64xi32, #tpu.memory_space<vmem>>) semaphore(%arg9 : memref<!tpu.dma_semaphore, #tpu.memory_space<semaphore_mem>>)
    %dma_start3A_5 = arith.constant 0 : i32
    %dma_start3A_6 = arith.constant 0 : i32
    %dma_start3A_7 = tpu.memref_slice %arg5[%dma_start3A_5, %dma_start3A_6] : memref<6144x768xf32, #tpu.memory_space<hbm>> -> memref<6144x768xf32, #tpu.memory_space<hbm>>
    tpu.enqueue_indirect_dma source(%arg8 : memref<64x768xf32, #tpu.memory_space<vmem>>) target(%dma_start3A_7 : memref<6144x768xf32, #tpu.memory_space<hbm>>) offsets(%arg7 : memref<64xi32, #tpu.memory_space<vmem>>) semaphore(%arg10 : memref<!tpu.dma_semaphore, #tpu.memory_space<semaphore_mem>>)
    %dma_wait3A = arith.constant 0 : i32
    %dma_wait3A_8 = arith.constant 0 : i32
    %dma_wait3A_9 = tpu.memref_slice %arg5[%dma_wait3A, %dma_wait3A_8] : memref<6144x768xf32, #tpu.memory_space<hbm>> -> memref<6144x768xf32, #tpu.memory_space<hbm>>
    tpu.wait_indirect_dma semaphore(%arg9 : memref<!tpu.dma_semaphore, #tpu.memory_space<semaphore_mem>>) src(%arg8 : memref<64x768xf32, #tpu.memory_space<vmem>>) dst(%dma_wait3A_9 : memref<6144x768xf32, #tpu.memory_space<hbm>>)
    %dma_wait3A_10 = arith.constant 0 : i32
    %dma_wait3A_11 = arith.constant 0 : i32
    %dma_wait3A_12 = tpu.memref_slice %arg5[%dma_wait3A_10, %dma_wait3A_11] : memref<6144x768xf32, #tpu.memory_space<hbm>> -> memref<6144x768xf32, #tpu.memory_space<hbm>>
    tpu.wait_indirect_dma semaphore(%arg10 : memref<!tpu.dma_semaphore, #tpu.memory_space<semaphore_mem>>) src(%arg8 : memref<64x768xf32, #tpu.memory_space<vmem>>) dst(%dma_wait3A_12 : memref<6144x768xf32, #tpu.memory_space<hbm>>)
    return
  }
}

module attributes {stable_mosaic.version = 14 : i64} {
  func.func @_dispatch_kernel(%arg0: memref<2048x768xf32, #tpu.memory_space<vmem>>, %arg1: memref<768x8xf32, #tpu.memory_space<vmem>>, %arg2: memref<8xf32, #tpu.memory_space<vmem>>, %arg3: memref<2048x1xi32, #tpu.memory_space<vmem>>, %arg4: memref<2048x1xi32, #tpu.memory_space<vmem>>, %arg5: memref<2048x1xf32, #tpu.memory_space<vmem>>, %arg6: memref<2048x1xf32, #tpu.memory_space<vmem>>, %arg7: memref<1x128xi32, #tpu.memory_space<vmem>>, %arg8: memref<1x128xi32, #tpu.memory_space<vmem>>) attributes {dimension_semantics = [], scalar_prefetch = 0 : i64, scratch_operands = 0 : i64, tpu.core_type = #tpu.core_type<tc>} {
    %get3A = arith.constant 0 : index
    %get3A_0 = arith.constant 0 : index
    %get3A_1 = vector.load %arg0[%get3A, %get3A_0] : memref<2048x768xf32, #tpu.memory_space<vmem>>, vector<2048x768xf32>
    %get3A_2 = arith.constant 0 : index
    %get3A_3 = arith.constant 0 : index
    %get3A_4 = vector.load %arg1[%get3A_2, %get3A_3] : memref<768x8xf32, #tpu.memory_space<vmem>>, vector<768x8xf32>
    %dot_general3A = arith.constant dense<0.000000e+00> : vector<2048x8xf32>
    %dot_general3A_5 = tpu.matmul %get3A_1, %get3A_4, %dot_general3A {dimension_numbers = #tpu.dot_dimension_numbers<[1], [0], [0], [1], [0, 0, 1, 1], [], []>, transpose_lhs_hint = false} : vector<2048x768xf32>, vector<768x8xf32>, vector<2048x8xf32> -> vector<2048x8xf32>
    %get3A_6 = arith.constant 0 : index
    %get3A_7 = vector.load %arg2[%get3A_6] : memref<8xf32, #tpu.memory_space<vmem>>, vector<8xf32>
    %broadcast_in_dim3A = vector.shape_cast %get3A_7 : vector<8xf32> to vector<1x8xf32>
    %add3A = vector.broadcast %broadcast_in_dim3A : vector<1x8xf32> to vector<2048x8xf32>
    %add3A_8 = arith.addf %dot_general3A_5, %add3A : vector<2048x8xf32>
    %reduce_max3A = arith.constant dense<0xFF800000> : vector<2048xf32>
    %reduce_max3A_9 = vector.multi_reduction <maximumf>, %add3A_8, %reduce_max3A [1] : vector<2048x8xf32> to vector<2048xf32>
    %broadcast_in_dim3A_10 = vector.shape_cast %reduce_max3A_9 : vector<2048xf32> to vector<2048x1xf32>
    %sub3A = vector.broadcast %broadcast_in_dim3A_10 : vector<2048x1xf32> to vector<2048x8xf32>
    %sub3A_11 = arith.subf %add3A_8, %sub3A : vector<2048x8xf32>
    %exp3A = math.exp %sub3A_11 : vector<2048x8xf32>
    %reduce_sum3A = arith.constant dense<0.000000e+00> : vector<2048xf32>
    %reduce_sum3A_12 = vector.multi_reduction <add>, %exp3A, %reduce_sum3A [1] : vector<2048x8xf32> to vector<2048xf32>
    %broadcast_in_dim3A_13 = vector.shape_cast %reduce_sum3A_12 : vector<2048xf32> to vector<2048x1xf32>
    %div3A = vector.broadcast %broadcast_in_dim3A_13 : vector<2048x1xf32> to vector<2048x8xf32>
    %div3A_14 = arith.divf %exp3A, %div3A : vector<2048x8xf32>
    %iota3A = tpu.iota {dimensions = array<i32: 1>} : vector<2048x8xi32>
    %argmax3A = tpu.reduce_index %div3A_14 {axis = 1 : i32, kind = #tpu.reduction_kind<arg_max>} : vector<2048x8xf32> -> vector<2048xi32>
    %broadcast_in_dim3A_15 = vector.shape_cast %argmax3A : vector<2048xi32> to vector<2048x1xi32>
    %reduce_max3A_16 = arith.constant dense<0xFF800000> : vector<2048xf32>
    %reduce_max3A_17 = vector.multi_reduction <maximumf>, %div3A_14, %reduce_max3A_16 [1] : vector<2048x8xf32> to vector<2048xf32>
    %broadcast_in_dim3A_18 = vector.shape_cast %reduce_max3A_17 : vector<2048xf32> to vector<2048x1xf32>
    %eq3A = vector.broadcast %broadcast_in_dim3A_15 : vector<2048x1xi32> to vector<2048x8xi32>
    %eq3A_19 = arith.cmpi eq, %iota3A, %eq3A : vector<2048x8xi32>
    %jit3A = arith.constant -1.000000e+00 : f32
    %broadcast_in_dim3A_20 = vector.broadcast %jit3A : f32 to vector<2048x8xf32>
    %select_n3A = arith.select %eq3A_19, %broadcast_in_dim3A_20, %div3A_14 : vector<2048x8xi1>, vector<2048x8xf32>
    %argmax3A_21 = tpu.reduce_index %select_n3A {axis = 1 : i32, kind = #tpu.reduction_kind<arg_max>} : vector<2048x8xf32> -> vector<2048xi32>
    %broadcast_in_dim3A_22 = vector.shape_cast %argmax3A_21 : vector<2048xi32> to vector<2048x1xi32>
    %reduce_max3A_23 = arith.constant dense<0xFF800000> : vector<2048xf32>
    %reduce_max3A_24 = vector.multi_reduction <maximumf>, %select_n3A, %reduce_max3A_23 [1] : vector<2048x8xf32> to vector<2048xf32>
    %broadcast_in_dim3A_25 = vector.shape_cast %reduce_max3A_24 : vector<2048xf32> to vector<2048x1xf32>
    %eq3A_26 = vector.broadcast %broadcast_in_dim3A_22 : vector<2048x1xi32> to vector<2048x8xi32>
    %eq3A_27 = arith.cmpi eq, %iota3A, %eq3A_26 : vector<2048x8xi32>
    %add3A_28 = arith.addf %broadcast_in_dim3A_18, %broadcast_in_dim3A_25 : vector<2048x1xf32>
    %div3A_29 = arith.divf %broadcast_in_dim3A_18, %add3A_28 : vector<2048x1xf32>
    %div3A_30 = arith.divf %broadcast_in_dim3A_25, %add3A_28 : vector<2048x1xf32>
    %convert_element_type3A = arith.extui %eq3A_19 : vector<2048x8xi1> to vector<2048x8xi32>
    %convert_element_type3A_31 = arith.sitofp %convert_element_type3A : vector<2048x8xi32> to vector<2048x8xf32>
    %convert_element_type3A_32 = arith.truncf %convert_element_type3A_31 : vector<2048x8xf32> to vector<2048x8xbf16>
    %convert_element_type3A_33 = arith.extui %eq3A_27 : vector<2048x8xi1> to vector<2048x8xi32>
    %convert_element_type3A_34 = arith.sitofp %convert_element_type3A_33 : vector<2048x8xi32> to vector<2048x8xf32>
    %convert_element_type3A_35 = arith.truncf %convert_element_type3A_34 : vector<2048x8xf32> to vector<2048x8xbf16>
    %add3A_36 = arith.addf %convert_element_type3A_32, %convert_element_type3A_35 : vector<2048x8xbf16>
    %iota3A_37 = tpu.iota {dimensions = array<i32: 0>} : vector<512x512xi32>
    %iota3A_38 = tpu.iota {dimensions = array<i32: 1>} : vector<512x512xi32>
    %lt3A = arith.cmpi slt, %iota3A_38, %iota3A_37 : vector<512x512xi32>
    %convert_element_type3A_39 = arith.extui %lt3A : vector<512x512xi1> to vector<512x512xi32>
    %convert_element_type3A_40 = arith.sitofp %convert_element_type3A_39 : vector<512x512xi32> to vector<512x512xf32>
    %convert_element_type3A_41 = arith.truncf %convert_element_type3A_40 : vector<512x512xf32> to vector<512x512xbf16>
    %broadcast_in_dim3A_42 = arith.constant 0.000000e+00 : f32
    %broadcast_in_dim3A_43 = vector.broadcast %broadcast_in_dim3A_42 : f32 to vector<1x8xf32>
    %slice3A = vector.extract_strided_slice %add3A_36 {offsets = [0, 0], sizes = [512, 8], strides = [1, 1]} : vector<2048x8xbf16> to vector<512x8xbf16>
    %dot_general3A_44 = arith.constant dense<0.000000e+00> : vector<512x8xf32>
    %dot_general3A_45 = tpu.matmul %convert_element_type3A_41, %slice3A, %dot_general3A_44 {dimension_numbers = #tpu.dot_dimension_numbers<[1], [0], [0], [1], [0, 0, 1, 1], [], []>, transpose_lhs_hint = false} : vector<512x512xbf16>, vector<512x8xbf16>, vector<512x8xf32> -> vector<512x8xf32>
    %add3A_46 = vector.broadcast %broadcast_in_dim3A_43 : vector<1x8xf32> to vector<512x8xf32>
    %add3A_47 = arith.addf %dot_general3A_45, %add3A_46 : vector<512x8xf32>
    %convert_element_type3A_48 = arith.extf %slice3A : vector<512x8xbf16> to vector<512x8xf32>
    %reduce_sum3A_49 = arith.constant dense<0.000000e+00> : vector<8xf32>
    %reduce_sum3A_50 = vector.multi_reduction <add>, %convert_element_type3A_48, %reduce_sum3A_49 [0] : vector<512x8xf32> to vector<8xf32>
    %broadcast_in_dim3A_51 = vector.shape_cast %reduce_sum3A_50 : vector<8xf32> to vector<1x8xf32>
    %add3A_52 = arith.addf %broadcast_in_dim3A_43, %broadcast_in_dim3A_51 : vector<1x8xf32>
    %slice3A_53 = vector.extract_strided_slice %add3A_36 {offsets = [512, 0], sizes = [512, 8], strides = [1, 1]} : vector<2048x8xbf16> to vector<512x8xbf16>
    %dot_general3A_54 = arith.constant dense<0.000000e+00> : vector<512x8xf32>
    %dot_general3A_55 = tpu.matmul %convert_element_type3A_41, %slice3A_53, %dot_general3A_54 {dimension_numbers = #tpu.dot_dimension_numbers<[1], [0], [0], [1], [0, 0, 1, 1], [], []>, transpose_lhs_hint = false} : vector<512x512xbf16>, vector<512x8xbf16>, vector<512x8xf32> -> vector<512x8xf32>
    %add3A_56 = vector.broadcast %add3A_52 : vector<1x8xf32> to vector<512x8xf32>
    %add3A_57 = arith.addf %dot_general3A_55, %add3A_56 : vector<512x8xf32>
    %convert_element_type3A_58 = arith.extf %slice3A_53 : vector<512x8xbf16> to vector<512x8xf32>
    %reduce_sum3A_59 = arith.constant dense<0.000000e+00> : vector<8xf32>
    %reduce_sum3A_60 = vector.multi_reduction <add>, %convert_element_type3A_58, %reduce_sum3A_59 [0] : vector<512x8xf32> to vector<8xf32>
    %broadcast_in_dim3A_61 = vector.shape_cast %reduce_sum3A_60 : vector<8xf32> to vector<1x8xf32>
    %add3A_62 = arith.addf %add3A_52, %broadcast_in_dim3A_61 : vector<1x8xf32>
    %slice3A_63 = vector.extract_strided_slice %add3A_36 {offsets = [1024, 0], sizes = [512, 8], strides = [1, 1]} : vector<2048x8xbf16> to vector<512x8xbf16>
    %dot_general3A_64 = arith.constant dense<0.000000e+00> : vector<512x8xf32>
    %dot_general3A_65 = tpu.matmul %convert_element_type3A_41, %slice3A_63, %dot_general3A_64 {dimension_numbers = #tpu.dot_dimension_numbers<[1], [0], [0], [1], [0, 0, 1, 1], [], []>, transpose_lhs_hint = false} : vector<512x512xbf16>, vector<512x8xbf16>, vector<512x8xf32> -> vector<512x8xf32>
    %add3A_66 = vector.broadcast %add3A_62 : vector<1x8xf32> to vector<512x8xf32>
    %add3A_67 = arith.addf %dot_general3A_65, %add3A_66 : vector<512x8xf32>
    %convert_element_type3A_68 = arith.extf %slice3A_63 : vector<512x8xbf16> to vector<512x8xf32>
    %reduce_sum3A_69 = arith.constant dense<0.000000e+00> : vector<8xf32>
    %reduce_sum3A_70 = vector.multi_reduction <add>, %convert_element_type3A_68, %reduce_sum3A_69 [0] : vector<512x8xf32> to vector<8xf32>
    %broadcast_in_dim3A_71 = vector.shape_cast %reduce_sum3A_70 : vector<8xf32> to vector<1x8xf32>
    %add3A_72 = arith.addf %add3A_62, %broadcast_in_dim3A_71 : vector<1x8xf32>
    %slice3A_73 = vector.extract_strided_slice %add3A_36 {offsets = [1536, 0], sizes = [512, 8], strides = [1, 1]} : vector<2048x8xbf16> to vector<512x8xbf16>
    %dot_general3A_74 = arith.constant dense<0.000000e+00> : vector<512x8xf32>
    %dot_general3A_75 = tpu.matmul %convert_element_type3A_41, %slice3A_73, %dot_general3A_74 {dimension_numbers = #tpu.dot_dimension_numbers<[1], [0], [0], [1], [0, 0, 1, 1], [], []>, transpose_lhs_hint = false} : vector<512x512xbf16>, vector<512x8xbf16>, vector<512x8xf32> -> vector<512x8xf32>
    %add3A_76 = vector.broadcast %add3A_72 : vector<1x8xf32> to vector<512x8xf32>
    %add3A_77 = arith.addf %dot_general3A_75, %add3A_76 : vector<512x8xf32>
    %convert_element_type3A_78 = arith.extf %slice3A_73 : vector<512x8xbf16> to vector<512x8xf32>
    %reduce_sum3A_79 = arith.constant dense<0.000000e+00> : vector<8xf32>
    %reduce_sum3A_80 = vector.multi_reduction <add>, %convert_element_type3A_78, %reduce_sum3A_79 [0] : vector<512x8xf32> to vector<8xf32>
    %broadcast_in_dim3A_81 = vector.shape_cast %reduce_sum3A_80 : vector<8xf32> to vector<1x8xf32>
    %add3A_82 = arith.addf %add3A_72, %broadcast_in_dim3A_81 : vector<1x8xf32>
    %concatenate3A = tpu.concatenate %add3A_47, %add3A_57, %add3A_67, %add3A_77 in 0 : vector<512x8xf32>, vector<512x8xf32>, vector<512x8xf32>, vector<512x8xf32> -> vector<2048x8xf32>
    %div3A_83 = arith.constant 2.560000e+02 : f32
    %div3A_84 = vector.broadcast %div3A_83 : f32 to vector<1x8xf32>
    %div3A_85 = arith.divf %add3A_82, %div3A_84 : vector<1x8xf32>
    %ceil3A = math.ceil %div3A_85 : vector<1x8xf32>
    %mul3A = arith.constant 2.560000e+02 : f32
    %mul3A_86 = vector.broadcast %mul3A : f32 to vector<1x8xf32>
    %mul3A_87 = arith.mulf %ceil3A, %mul3A_86 : vector<1x8xf32>
    %iota3A_88 = tpu.iota {dimensions = array<i32: 0>} : vector<8x8xi32>
    %iota3A_89 = tpu.iota {dimensions = array<i32: 1>} : vector<8x8xi32>
    %lt3A_90 = arith.cmpi slt, %iota3A_88, %iota3A_89 : vector<8x8xi32>
    %convert_element_type3A_91 = arith.extui %lt3A_90 : vector<8x8xi1> to vector<8x8xi32>
    %convert_element_type3A_92 = arith.sitofp %convert_element_type3A_91 : vector<8x8xi32> to vector<8x8xf32>
    %dot_general3A_93 = arith.constant dense<0.000000e+00> : vector<1x8xf32>
    %dot_general3A_94 = tpu.matmul %mul3A_87, %convert_element_type3A_92, %dot_general3A_93 {dimension_numbers = #tpu.dot_dimension_numbers<[1], [0], [0], [1], [0, 0, 1, 1], [], []>, precision = #tpu.contract_precision<fp32>, transpose_lhs_hint = false} : vector<1x8xf32>, vector<8x8xf32>, vector<1x8xf32> -> vector<1x8xf32>
    %add3A_95 = vector.broadcast %dot_general3A_94 : vector<1x8xf32> to vector<2048x8xf32>
    %add3A_96 = arith.addf %add3A_95, %concatenate3A : vector<2048x8xf32>
    %jit3A_97 = arith.constant 0.000000e+00 : f32
    %broadcast_in_dim3A_98 = vector.broadcast %jit3A_97 : f32 to vector<2048x8xf32>
    %select_n3A_99 = arith.select %eq3A_19, %add3A_96, %broadcast_in_dim3A_98 : vector<2048x8xi1>, vector<2048x8xf32>
    %reduce_sum3A_100 = arith.constant dense<0.000000e+00> : vector<2048xf32>
    %reduce_sum3A_101 = vector.multi_reduction <add>, %select_n3A_99, %reduce_sum3A_100 [1] : vector<2048x8xf32> to vector<2048xf32>
    %broadcast_in_dim3A_102 = vector.shape_cast %reduce_sum3A_101 : vector<2048xf32> to vector<2048x1xf32>
    %jit3A_103 = arith.constant 0.000000e+00 : f32
    %broadcast_in_dim3A_104 = vector.broadcast %jit3A_103 : f32 to vector<2048x8xf32>
    %select_n3A_105 = arith.select %eq3A_27, %add3A_96, %broadcast_in_dim3A_104 : vector<2048x8xi1>, vector<2048x8xf32>
    %reduce_sum3A_106 = arith.constant dense<0.000000e+00> : vector<2048xf32>
    %reduce_sum3A_107 = vector.multi_reduction <add>, %select_n3A_105, %reduce_sum3A_106 [1] : vector<2048x8xf32> to vector<2048xf32>
    %broadcast_in_dim3A_108 = vector.shape_cast %reduce_sum3A_107 : vector<2048xf32> to vector<2048x1xf32>
    %convert_element_type3A_109 = arith.fptosi %broadcast_in_dim3A_102 : vector<2048x1xf32> to vector<2048x1xi32>
    %swap3A = arith.constant 0 : index
    %swap3A_110 = arith.constant 0 : index
    %swap3A_111 = vector.load %arg3[%swap3A, %swap3A_110] : memref<2048x1xi32, #tpu.memory_space<vmem>>, vector<2048x1xi32>
    tpu.vector_store %arg3[%swap3A, %swap3A_110], %convert_element_type3A_109 {strides = array<i32>} : memref<2048x1xi32, #tpu.memory_space<vmem>>, vector<2048x1xi32>,
    %convert_element_type3A_112 = arith.fptosi %broadcast_in_dim3A_108 : vector<2048x1xf32> to vector<2048x1xi32>
    %swap3A_113 = arith.constant 0 : index
    %swap3A_114 = arith.constant 0 : index
    %swap3A_115 = vector.load %arg4[%swap3A_113, %swap3A_114] : memref<2048x1xi32, #tpu.memory_space<vmem>>, vector<2048x1xi32>
    tpu.vector_store %arg4[%swap3A_113, %swap3A_114], %convert_element_type3A_112 {strides = array<i32>} : memref<2048x1xi32, #tpu.memory_space<vmem>>, vector<2048x1xi32>,
    %swap3A_116 = arith.constant 0 : index
    %swap3A_117 = arith.constant 0 : index
    %swap3A_118 = vector.load %arg5[%swap3A_116, %swap3A_117] : memref<2048x1xf32, #tpu.memory_space<vmem>>, vector<2048x1xf32>
    tpu.vector_store %arg5[%swap3A_116, %swap3A_117], %div3A_29 {strides = array<i32>} : memref<2048x1xf32, #tpu.memory_space<vmem>>, vector<2048x1xf32>,
    %swap3A_119 = arith.constant 0 : index
    %swap3A_120 = arith.constant 0 : index
    %swap3A_121 = vector.load %arg6[%swap3A_119, %swap3A_120] : memref<2048x1xf32, #tpu.memory_space<vmem>>, vector<2048x1xf32>
    tpu.vector_store %arg6[%swap3A_119, %swap3A_120], %div3A_30 {strides = array<i32>} : memref<2048x1xf32, #tpu.memory_space<vmem>>, vector<2048x1xf32>,
    %iota3A_122 = tpu.iota {dimensions = array<i32: 1>} : vector<1x128xi32>
    %convert_element_type3A_123 = arith.sitofp %iota3A_122 : vector<1x128xi32> to vector<1x128xf32>
    %div3A_124 = arith.constant 2.560000e+02 : f32
    %div3A_125 = vector.broadcast %div3A_124 : f32 to vector<1x8xf32>
    %div3A_126 = arith.divf %dot_general3A_94, %div3A_125 : vector<1x8xf32>
    %iota3A_127 = tpu.iota {dimensions = array<i32: 1>} : vector<1x8xi32>
    %broadcast_in_dim3A_128 = arith.constant 0.000000e+00 : f32
    %broadcast_in_dim3A_129 = vector.broadcast %broadcast_in_dim3A_128 : f32 to vector<1x128xf32>
    %eq3A_130 = arith.constant 0 : i32
    %eq3A_131 = vector.broadcast %eq3A_130 : i32 to vector<1x8xi32>
    %eq3A_132 = arith.cmpi eq, %iota3A_127, %eq3A_131 : vector<1x8xi32>
    %jit3A_133 = arith.constant 0.000000e+00 : f32
    %broadcast_in_dim3A_134 = vector.broadcast %jit3A_133 : f32 to vector<1x8xf32>
    %select_n3A_135 = arith.select %eq3A_132, %div3A_126, %broadcast_in_dim3A_134 : vector<1x8xi1>, vector<1x8xf32>
    %reduce_sum3A_136 = arith.constant dense<0.000000e+00> : vector<1xf32>
    %reduce_sum3A_137 = vector.multi_reduction <add>, %select_n3A_135, %reduce_sum3A_136 [1] : vector<1x8xf32> to vector<1xf32>
    %broadcast_in_dim3A_138 = vector.shape_cast %reduce_sum3A_137 : vector<1xf32> to vector<1x1xf32>
    %ge3A = vector.broadcast %broadcast_in_dim3A_138 : vector<1x1xf32> to vector<1x128xf32>
    %ge3A_139 = arith.cmpf oge, %convert_element_type3A_123, %ge3A : vector<1x128xf32>
    %convert_element_type3A_140 = arith.extui %ge3A_139 : vector<1x128xi1> to vector<1x128xi32>
    %convert_element_type3A_141 = arith.sitofp %convert_element_type3A_140 : vector<1x128xi32> to vector<1x128xf32>
    %add3A_142 = arith.addf %broadcast_in_dim3A_129, %convert_element_type3A_141 : vector<1x128xf32>
    %eq3A_143 = arith.constant 1 : i32
    %eq3A_144 = vector.broadcast %eq3A_143 : i32 to vector<1x8xi32>
    %eq3A_145 = arith.cmpi eq, %iota3A_127, %eq3A_144 : vector<1x8xi32>
    %jit3A_146 = arith.constant 0.000000e+00 : f32
    %broadcast_in_dim3A_147 = vector.broadcast %jit3A_146 : f32 to vector<1x8xf32>
    %select_n3A_148 = arith.select %eq3A_145, %div3A_126, %broadcast_in_dim3A_147 : vector<1x8xi1>, vector<1x8xf32>
    %reduce_sum3A_149 = arith.constant dense<0.000000e+00> : vector<1xf32>
    %reduce_sum3A_150 = vector.multi_reduction <add>, %select_n3A_148, %reduce_sum3A_149 [1] : vector<1x8xf32> to vector<1xf32>
    %broadcast_in_dim3A_151 = vector.shape_cast %reduce_sum3A_150 : vector<1xf32> to vector<1x1xf32>
    %ge3A_152 = vector.broadcast %broadcast_in_dim3A_151 : vector<1x1xf32> to vector<1x128xf32>
    %ge3A_153 = arith.cmpf oge, %convert_element_type3A_123, %ge3A_152 : vector<1x128xf32>
    %convert_element_type3A_154 = arith.extui %ge3A_153 : vector<1x128xi1> to vector<1x128xi32>
    %convert_element_type3A_155 = arith.sitofp %convert_element_type3A_154 : vector<1x128xi32> to vector<1x128xf32>
    %add3A_156 = arith.addf %add3A_142, %convert_element_type3A_155 : vector<1x128xf32>
    %eq3A_157 = arith.constant 2 : i32
    %eq3A_158 = vector.broadcast %eq3A_157 : i32 to vector<1x8xi32>
    %eq3A_159 = arith.cmpi eq, %iota3A_127, %eq3A_158 : vector<1x8xi32>
    %jit3A_160 = arith.constant 0.000000e+00 : f32
    %broadcast_in_dim3A_161 = vector.broadcast %jit3A_160 : f32 to vector<1x8xf32>
    %select_n3A_162 = arith.select %eq3A_159, %div3A_126, %broadcast_in_dim3A_161 : vector<1x8xi1>, vector<1x8xf32>
    %reduce_sum3A_163 = arith.constant dense<0.000000e+00> : vector<1xf32>
    %reduce_sum3A_164 = vector.multi_reduction <add>, %select_n3A_162, %reduce_sum3A_163 [1] : vector<1x8xf32> to vector<1xf32>
    %broadcast_in_dim3A_165 = vector.shape_cast %reduce_sum3A_164 : vector<1xf32> to vector<1x1xf32>
    %ge3A_166 = vector.broadcast %broadcast_in_dim3A_165 : vector<1x1xf32> to vector<1x128xf32>
    %ge3A_167 = arith.cmpf oge, %convert_element_type3A_123, %ge3A_166 : vector<1x128xf32>
    %convert_element_type3A_168 = arith.extui %ge3A_167 : vector<1x128xi1> to vector<1x128xi32>
    %convert_element_type3A_169 = arith.sitofp %convert_element_type3A_168 : vector<1x128xi32> to vector<1x128xf32>
    %add3A_170 = arith.addf %add3A_156, %convert_element_type3A_169 : vector<1x128xf32>
    %eq3A_171 = arith.constant 3 : i32
    %eq3A_172 = vector.broadcast %eq3A_171 : i32 to vector<1x8xi32>
    %eq3A_173 = arith.cmpi eq, %iota3A_127, %eq3A_172 : vector<1x8xi32>
    %jit3A_174 = arith.constant 0.000000e+00 : f32
    %broadcast_in_dim3A_175 = vector.broadcast %jit3A_174 : f32 to vector<1x8xf32>
    %select_n3A_176 = arith.select %eq3A_173, %div3A_126, %broadcast_in_dim3A_175 : vector<1x8xi1>, vector<1x8xf32>
    %reduce_sum3A_177 = arith.constant dense<0.000000e+00> : vector<1xf32>
    %reduce_sum3A_178 = vector.multi_reduction <add>, %select_n3A_176, %reduce_sum3A_177 [1] : vector<1x8xf32> to vector<1xf32>
    %broadcast_in_dim3A_179 = vector.shape_cast %reduce_sum3A_178 : vector<1xf32> to vector<1x1xf32>
    %ge3A_180 = vector.broadcast %broadcast_in_dim3A_179 : vector<1x1xf32> to vector<1x128xf32>
    %ge3A_181 = arith.cmpf oge, %convert_element_type3A_123, %ge3A_180 : vector<1x128xf32>
    %convert_element_type3A_182 = arith.extui %ge3A_181 : vector<1x128xi1> to vector<1x128xi32>
    %convert_element_type3A_183 = arith.sitofp %convert_element_type3A_182 : vector<1x128xi32> to vector<1x128xf32>
    %add3A_184 = arith.addf %add3A_170, %convert_element_type3A_183 : vector<1x128xf32>
    %eq3A_185 = arith.constant 4 : i32
    %eq3A_186 = vector.broadcast %eq3A_185 : i32 to vector<1x8xi32>
    %eq3A_187 = arith.cmpi eq, %iota3A_127, %eq3A_186 : vector<1x8xi32>
    %jit3A_188 = arith.constant 0.000000e+00 : f32
    %broadcast_in_dim3A_189 = vector.broadcast %jit3A_188 : f32 to vector<1x8xf32>
    %select_n3A_190 = arith.select %eq3A_187, %div3A_126, %broadcast_in_dim3A_189 : vector<1x8xi1>, vector<1x8xf32>
    %reduce_sum3A_191 = arith.constant dense<0.000000e+00> : vector<1xf32>
    %reduce_sum3A_192 = vector.multi_reduction <add>, %select_n3A_190, %reduce_sum3A_191 [1] : vector<1x8xf32> to vector<1xf32>
    %broadcast_in_dim3A_193 = vector.shape_cast %reduce_sum3A_192 : vector<1xf32> to vector<1x1xf32>
    %ge3A_194 = vector.broadcast %broadcast_in_dim3A_193 : vector<1x1xf32> to vector<1x128xf32>
    %ge3A_195 = arith.cmpf oge, %convert_element_type3A_123, %ge3A_194 : vector<1x128xf32>
    %convert_element_type3A_196 = arith.extui %ge3A_195 : vector<1x128xi1> to vector<1x128xi32>
    %convert_element_type3A_197 = arith.sitofp %convert_element_type3A_196 : vector<1x128xi32> to vector<1x128xf32>
    %add3A_198 = arith.addf %add3A_184, %convert_element_type3A_197 : vector<1x128xf32>
    %eq3A_199 = arith.constant 5 : i32
    %eq3A_200 = vector.broadcast %eq3A_199 : i32 to vector<1x8xi32>
    %eq3A_201 = arith.cmpi eq, %iota3A_127, %eq3A_200 : vector<1x8xi32>
    %jit3A_202 = arith.constant 0.000000e+00 : f32
    %broadcast_in_dim3A_203 = vector.broadcast %jit3A_202 : f32 to vector<1x8xf32>
    %select_n3A_204 = arith.select %eq3A_201, %div3A_126, %broadcast_in_dim3A_203 : vector<1x8xi1>, vector<1x8xf32>
    %reduce_sum3A_205 = arith.constant dense<0.000000e+00> : vector<1xf32>
    %reduce_sum3A_206 = vector.multi_reduction <add>, %select_n3A_204, %reduce_sum3A_205 [1] : vector<1x8xf32> to vector<1xf32>
    %broadcast_in_dim3A_207 = vector.shape_cast %reduce_sum3A_206 : vector<1xf32> to vector<1x1xf32>
    %ge3A_208 = vector.broadcast %broadcast_in_dim3A_207 : vector<1x1xf32> to vector<1x128xf32>
    %ge3A_209 = arith.cmpf oge, %convert_element_type3A_123, %ge3A_208 : vector<1x128xf32>
    %convert_element_type3A_210 = arith.extui %ge3A_209 : vector<1x128xi1> to vector<1x128xi32>
    %convert_element_type3A_211 = arith.sitofp %convert_element_type3A_210 : vector<1x128xi32> to vector<1x128xf32>
    %add3A_212 = arith.addf %add3A_198, %convert_element_type3A_211 : vector<1x128xf32>
    %eq3A_213 = arith.constant 6 : i32
    %eq3A_214 = vector.broadcast %eq3A_213 : i32 to vector<1x8xi32>
    %eq3A_215 = arith.cmpi eq, %iota3A_127, %eq3A_214 : vector<1x8xi32>
    %jit3A_216 = arith.constant 0.000000e+00 : f32
    %broadcast_in_dim3A_217 = vector.broadcast %jit3A_216 : f32 to vector<1x8xf32>
    %select_n3A_218 = arith.select %eq3A_215, %div3A_126, %broadcast_in_dim3A_217 : vector<1x8xi1>, vector<1x8xf32>
    %reduce_sum3A_219 = arith.constant dense<0.000000e+00> : vector<1xf32>
    %reduce_sum3A_220 = vector.multi_reduction <add>, %select_n3A_218, %reduce_sum3A_219 [1] : vector<1x8xf32> to vector<1xf32>
    %broadcast_in_dim3A_221 = vector.shape_cast %reduce_sum3A_220 : vector<1xf32> to vector<1x1xf32>
    %ge3A_222 = vector.broadcast %broadcast_in_dim3A_221 : vector<1x1xf32> to vector<1x128xf32>
    %ge3A_223 = arith.cmpf oge, %convert_element_type3A_123, %ge3A_222 : vector<1x128xf32>
    %convert_element_type3A_224 = arith.extui %ge3A_223 : vector<1x128xi1> to vector<1x128xi32>
    %convert_element_type3A_225 = arith.sitofp %convert_element_type3A_224 : vector<1x128xi32> to vector<1x128xf32>
    %add3A_226 = arith.addf %add3A_212, %convert_element_type3A_225 : vector<1x128xf32>
    %eq3A_227 = arith.constant 7 : i32
    %eq3A_228 = vector.broadcast %eq3A_227 : i32 to vector<1x8xi32>
    %eq3A_229 = arith.cmpi eq, %iota3A_127, %eq3A_228 : vector<1x8xi32>
    %jit3A_230 = arith.constant 0.000000e+00 : f32
    %broadcast_in_dim3A_231 = vector.broadcast %jit3A_230 : f32 to vector<1x8xf32>
    %select_n3A_232 = arith.select %eq3A_229, %div3A_126, %broadcast_in_dim3A_231 : vector<1x8xi1>, vector<1x8xf32>
    %reduce_sum3A_233 = arith.constant dense<0.000000e+00> : vector<1xf32>
    %reduce_sum3A_234 = vector.multi_reduction <add>, %select_n3A_232, %reduce_sum3A_233 [1] : vector<1x8xf32> to vector<1xf32>
    %broadcast_in_dim3A_235 = vector.shape_cast %reduce_sum3A_234 : vector<1xf32> to vector<1x1xf32>
    %ge3A_236 = vector.broadcast %broadcast_in_dim3A_235 : vector<1x1xf32> to vector<1x128xf32>
    %ge3A_237 = arith.cmpf oge, %convert_element_type3A_123, %ge3A_236 : vector<1x128xf32>
    %convert_element_type3A_238 = arith.extui %ge3A_237 : vector<1x128xi1> to vector<1x128xi32>
    %convert_element_type3A_239 = arith.sitofp %convert_element_type3A_238 : vector<1x128xi32> to vector<1x128xf32>
    %add3A_240 = arith.addf %add3A_226, %convert_element_type3A_239 : vector<1x128xf32>
    %sub3A_241 = arith.constant 1.000000e+00 : f32
    %sub3A_242 = vector.broadcast %sub3A_241 : f32 to vector<1x128xf32>
    %sub3A_243 = arith.subf %add3A_240, %sub3A_242 : vector<1x128xf32>
    %convert_element_type3A_244 = arith.fptosi %sub3A_243 : vector<1x128xf32> to vector<1x128xi32>
    %swap3A_245 = arith.constant 0 : index
    %swap3A_246 = arith.constant 0 : index
    %swap3A_247 = vector.load %arg7[%swap3A_245, %swap3A_246] : memref<1x128xi32, #tpu.memory_space<vmem>>, vector<1x128xi32>
    tpu.vector_store %arg7[%swap3A_245, %swap3A_246], %convert_element_type3A_244 {strides = array<i32>} : memref<1x128xi32, #tpu.memory_space<vmem>>, vector<1x128xi32>,
    %reduce_sum3A_248 = arith.constant dense<0.000000e+00> : vector<1xf32>
    %reduce_sum3A_249 = vector.multi_reduction <add>, %ceil3A, %reduce_sum3A_248 [1] : vector<1x8xf32> to vector<1xf32>
    %broadcast_in_dim3A_250 = vector.shape_cast %reduce_sum3A_249 : vector<1xf32> to vector<1x1xf32>
    %lt3A_251 = vector.broadcast %broadcast_in_dim3A_250 : vector<1x1xf32> to vector<1x128xf32>
    %lt3A_252 = arith.cmpf olt, %convert_element_type3A_123, %lt3A_251 : vector<1x128xf32>
    %convert_element_type3A_253 = arith.extui %lt3A_252 : vector<1x128xi1> to vector<1x128xi32>
    %swap3A_254 = arith.constant 0 : index
    %swap3A_255 = arith.constant 0 : index
    %swap3A_256 = vector.load %arg8[%swap3A_254, %swap3A_255] : memref<1x128xi32, #tpu.memory_space<vmem>>, vector<1x128xi32>
    tpu.vector_store %arg8[%swap3A_254, %swap3A_255], %convert_element_type3A_253 {strides = array<i32>} : memref<1x128xi32, #tpu.memory_space<vmem>>, vector<1x128xi32>,
    return
  }
}

module attributes {stable_mosaic.version = 14 : i64} {
  func.func @_group_mm_kernel(%arg0: i32, %arg1: memref<24xi32, #tpu.memory_space<smem>>, %arg2: memref<24xi32, #tpu.memory_space<smem>>, %arg3: memref<256x768xf32, #tpu.memory_space<vmem>>, %arg4: memref<1x768x3072xbf16, #tpu.memory_space<vmem>>, %arg5: memref<1x1x3072xf32, #tpu.memory_space<vmem>>, %arg6: memref<1x3072x768xbf16, #tpu.memory_space<vmem>>, %arg7: memref<1x1x768xf32, #tpu.memory_space<vmem>>, %arg8: memref<256x768xf32, #tpu.memory_space<vmem>>) attributes {dimension_semantics = [#tpu.dimension_semantics<arbitrary>], iteration_bounds = array<i64: 24>, scalar_prefetch = 2 : i64, scratch_operands = 0 : i64, tpu.core_type = #tpu.core_type<tc>, window_params = [{transform_indices = @transform_0, window_bounds = array<i64: 256, 768>}, {transform_indices = @transform_1, window_bounds = array<i64: 1, 768, 3072>}, {transform_indices = @transform_2, window_bounds = array<i64: 1, 1, 3072>}, {transform_indices = @transform_3, window_bounds = array<i64: 1, 3072, 768>}, {transform_indices = @transform_4, window_bounds = array<i64: 1, 1, 768>}, {transform_indices = @transform_5, window_bounds = array<i64: 256, 768>}]} {
    %get3A = arith.index_cast %arg0 : i32 to index
    %get3A_0 = memref.load %arg2[%get3A] : memref<24xi32, #tpu.memory_space<smem>>
    %eq3A = arith.constant 1 : i32
    %eq3A_1 = arith.cmpi eq, %get3A_0, %eq3A : i32
    %convert_element_type3A = arith.extui %eq3A_1 : i1 to i32
    %cond3A = arith.constant 0 : i32
    %cond3A_2 = arith.cmpi ne, %convert_element_type3A, %cond3A : i32
    scf.if %cond3A_2 {
      %get3A_3 = arith.constant 0 : index
      %get3A_4 = arith.constant 0 : index
      %get3A_5 = vector.load %arg3[%get3A_3, %get3A_4] : memref<256x768xf32, #tpu.memory_space<vmem>>, vector<256x768xf32>
      %convert_element_type3A_6 = arith.truncf %get3A_5 : vector<256x768xf32> to vector<256x768xbf16>
      %get3A_7 = arith.constant 0 : index
      %get3A_8 = arith.constant 0 : index
      %get3A_9 = arith.constant 0 : index
      %get3A_10 = vector.load %arg4[%get3A_7, %get3A_8, %get3A_9] : memref<1x768x3072xbf16, #tpu.memory_space<vmem>>, vector<1x768x3072xbf16>
      %get3A_11 = vector.shape_cast %get3A_10 : vector<1x768x3072xbf16> to vector<768x3072xbf16>
      %dot_general3A = arith.constant dense<0.000000e+00> : vector<256x3072xf32>
      %dot_general3A_12 = tpu.matmul %convert_element_type3A_6, %get3A_11, %dot_general3A {dimension_numbers = #tpu.dot_dimension_numbers<[1], [0], [0], [1], [0, 0, 1, 1], [], []>, transpose_lhs_hint = false} : vector<256x768xbf16>, vector<768x3072xbf16>, vector<256x3072xf32> -> vector<256x3072xf32>
      %get3A_13 = arith.constant 0 : index
      %get3A_14 = arith.constant 0 : index
      %get3A_15 = arith.constant 0 : index
      %get3A_16 = vector.load %arg5[%get3A_13, %get3A_14, %get3A_15] : memref<1x1x3072xf32, #tpu.memory_space<vmem>>, vector<1x1x3072xf32>
      %get3A_17 = vector.shape_cast %get3A_16 : vector<1x1x3072xf32> to vector<1x3072xf32>
      %add3A = vector.broadcast %get3A_17 : vector<1x3072xf32> to vector<256x3072xf32>
      %add3A_18 = arith.addf %dot_general3A_12, %add3A : vector<256x3072xf32>
      %max3A = arith.constant 0.000000e+00 : f32
      %max3A_19 = vector.broadcast %max3A : f32 to vector<256x3072xf32>
      %max3A_20 = arith.maximumf %add3A_18, %max3A_19 : vector<256x3072xf32>
      %convert_element_type3A_21 = arith.truncf %max3A_20 : vector<256x3072xf32> to vector<256x3072xbf16>
      %get3A_22 = arith.constant 0 : index
      %get3A_23 = arith.constant 0 : index
      %get3A_24 = arith.constant 0 : index
      %get3A_25 = vector.load %arg6[%get3A_22, %get3A_23, %get3A_24] : memref<1x3072x768xbf16, #tpu.memory_space<vmem>>, vector<1x3072x768xbf16>
      %get3A_26 = vector.shape_cast %get3A_25 : vector<1x3072x768xbf16> to vector<3072x768xbf16>
      %dot_general3A_27 = arith.constant dense<0.000000e+00> : vector<256x768xf32>
      %dot_general3A_28 = tpu.matmul %convert_element_type3A_21, %get3A_26, %dot_general3A_27 {dimension_numbers = #tpu.dot_dimension_numbers<[1], [0], [0], [1], [0, 0, 1, 1], [], []>, transpose_lhs_hint = false} : vector<256x3072xbf16>, vector<3072x768xbf16>, vector<256x768xf32> -> vector<256x768xf32>
      %get3A_29 = arith.constant 0 : index
      %get3A_30 = arith.constant 0 : index
      %get3A_31 = arith.constant 0 : index
      %get3A_32 = vector.load %arg7[%get3A_29, %get3A_30, %get3A_31] : memref<1x1x768xf32, #tpu.memory_space<vmem>>, vector<1x1x768xf32>
      %get3A_33 = vector.shape_cast %get3A_32 : vector<1x1x768xf32> to vector<1x768xf32>
      %add3A_34 = vector.broadcast %get3A_33 : vector<1x768xf32> to vector<256x768xf32>
      %add3A_35 = arith.addf %dot_general3A_28, %add3A_34 : vector<256x768xf32>
      %swap3A = arith.constant 0 : index
      %swap3A_36 = arith.constant 0 : index
      %swap3A_37 = vector.load %arg8[%swap3A, %swap3A_36] : memref<256x768xf32, #tpu.memory_space<vmem>>, vector<256x768xf32>
      tpu.vector_store %arg8[%swap3A, %swap3A_36], %add3A_35 {strides = array<i32>} : memref<256x768xf32, #tpu.memory_space<vmem>>, vector<256x768xf32>,
    } else {
    }
    return
  }
  func.func @transform_0(%arg0: i32, %arg1: memref<24xi32, #tpu.memory_space<smem>>, %arg2: memref<24xi32, #tpu.memory_space<smem>>) -> (i32, i32) {
    %c0_i32 = arith.constant 0 : i32
    %c0_i32_0 = arith.constant 0 : i32
    return %arg0, %c0_i32 : i32, i32
  }
  func.func @transform_1(%arg0: i32, %arg1: memref<24xi32, #tpu.memory_space<smem>>, %arg2: memref<24xi32, #tpu.memory_space<smem>>) -> (i32, i32, i32) {
    %get3A = arith.index_cast %arg0 : i32 to index
    %get3A_0 = memref.load %arg1[%get3A] : memref<24xi32, #tpu.memory_space<smem>>
    %c0_i32 = arith.constant 0 : i32
    %c0_i32_1 = arith.constant 0 : i32
    %c0_i32_2 = arith.constant 0 : i32
    return %get3A_0, %c0_i32, %c0_i32_1 : i32, i32, i32
  }
  func.func @transform_2(%arg0: i32, %arg1: memref<24xi32, #tpu.memory_space<smem>>, %arg2: memref<24xi32, #tpu.memory_space<smem>>) -> (i32, i32, i32) {
    %get3A = arith.index_cast %arg0 : i32 to index
    %get3A_0 = memref.load %arg1[%get3A] : memref<24xi32, #tpu.memory_space<smem>>
    %c0_i32 = arith.constant 0 : i32
    %c0_i32_1 = arith.constant 0 : i32
    %c0_i32_2 = arith.constant 0 : i32
    return %get3A_0, %c0_i32, %c0_i32_1 : i32, i32, i32
  }
  func.func @transform_3(%arg0: i32, %arg1: memref<24xi32, #tpu.memory_space<smem>>, %arg2: memref<24xi32, #tpu.memory_space<smem>>) -> (i32, i32, i32) {
    %get3A = arith.index_cast %arg0 : i32 to index
    %get3A_0 = memref.load %arg1[%get3A] : memref<24xi32, #tpu.memory_space<smem>>
    %c0_i32 = arith.constant 0 : i32
    %c0_i32_1 = arith.constant 0 : i32
    %c0_i32_2 = arith.constant 0 : i32
    return %get3A_0, %c0_i32, %c0_i32_1 : i32, i32, i32
  }
  func.func @transform_4(%arg0: i32, %arg1: memref<24xi32, #tpu.memory_space<smem>>, %arg2: memref<24xi32, #tpu.memory_space<smem>>) -> (i32, i32, i32) {
    %get3A = arith.index_cast %arg0 : i32 to index
    %get3A_0 = memref.load %arg1[%get3A] : memref<24xi32, #tpu.memory_space<smem>>
    %c0_i32 = arith.constant 0 : i32
    %c0_i32_1 = arith.constant 0 : i32
    %c0_i32_2 = arith.constant 0 : i32
    return %get3A_0, %c0_i32, %c0_i32_1 : i32, i32, i32
  }
  func.func @transform_5(%arg0: i32, %arg1: memref<24xi32, #tpu.memory_space<smem>>, %arg2: memref<24xi32, #tpu.memory_space<smem>>) -> (i32, i32) {
    %c0_i32 = arith.constant 0 : i32
    %c0_i32_0 = arith.constant 0 : i32
    return %arg0, %c0_i32 : i32, i32
  }
}

module attributes {stable_mosaic.version = 14 : i64} {
  func.func @_add_kernel(%arg0: i32, %arg1: memref<512x768xf32, #tpu.memory_space<vmem>>, %arg2: memref<512x768xf32, #tpu.memory_space<vmem>>, %arg3: memref<512x1xf32, #tpu.memory_space<vmem>>, %arg4: memref<512x1xf32, #tpu.memory_space<vmem>>, %arg5: memref<512x768xf32, #tpu.memory_space<vmem>>) attributes {dimension_semantics = [#tpu.dimension_semantics<arbitrary>], iteration_bounds = array<i64: 4>, scalar_prefetch = 0 : i64, scratch_operands = 0 : i64, tpu.core_type = #tpu.core_type<tc>, window_params = [{transform_indices = @transform_0, window_bounds = array<i64: 512, 768>}, {transform_indices = @transform_1, window_bounds = array<i64: 512, 768>}, {transform_indices = @transform_2, window_bounds = array<i64: 512, 1>}, {transform_indices = @transform_3, window_bounds = array<i64: 512, 1>}, {transform_indices = @transform_4, window_bounds = array<i64: 512, 768>}]} {
    %get3A = arith.constant 0 : index
    %get3A_0 = arith.constant 0 : index
    %get3A_1 = vector.load %arg1[%get3A, %get3A_0] : memref<512x768xf32, #tpu.memory_space<vmem>>, vector<512x768xf32>
    %get3A_2 = arith.constant 0 : index
    %get3A_3 = arith.constant 0 : index
    %get3A_4 = vector.load %arg3[%get3A_2, %get3A_3] : memref<512x1xf32, #tpu.memory_space<vmem>>, vector<512x1xf32>
    %mul3A = vector.broadcast %get3A_4 : vector<512x1xf32> to vector<512x768xf32>
    %mul3A_5 = arith.mulf %get3A_1, %mul3A : vector<512x768xf32>
    %get3A_6 = arith.constant 0 : index
    %get3A_7 = arith.constant 0 : index
    %get3A_8 = vector.load %arg2[%get3A_6, %get3A_7] : memref<512x768xf32, #tpu.memory_space<vmem>>, vector<512x768xf32>
    %get3A_9 = arith.constant 0 : index
    %get3A_10 = arith.constant 0 : index
    %get3A_11 = vector.load %arg4[%get3A_9, %get3A_10] : memref<512x1xf32, #tpu.memory_space<vmem>>, vector<512x1xf32>
    %mul3A_12 = vector.broadcast %get3A_11 : vector<512x1xf32> to vector<512x768xf32>
    %mul3A_13 = arith.mulf %get3A_8, %mul3A_12 : vector<512x768xf32>
    %add3A = arith.addf %mul3A_5, %mul3A_13 : vector<512x768xf32>
    %swap3A = arith.constant 0 : index
    %swap3A_14 = arith.constant 0 : index
    %swap3A_15 = vector.load %arg5[%swap3A, %swap3A_14] : memref<512x768xf32, #tpu.memory_space<vmem>>, vector<512x768xf32>
    tpu.vector_store %arg5[%swap3A, %swap3A_14], %add3A {strides = array<i32>} : memref<512x768xf32, #tpu.memory_space<vmem>>, vector<512x768xf32>,
    return
  }
  func.func @transform_0(%arg0: i32) -> (i32, i32) {
    %c0_i32 = arith.constant 0 : i32
    %c0_i32_0 = arith.constant 0 : i32
    return %arg0, %c0_i32 : i32, i32
  }
  func.func @transform_1(%arg0: i32) -> (i32, i32) {
    %c0_i32 = arith.constant 0 : i32
    %c0_i32_0 = arith.constant 0 : i32
    return %arg0, %c0_i32 : i32, i32
  }
  func.func @transform_2(%arg0: i32) -> (i32, i32) {
    %c0_i32 = arith.constant 0 : i32
    %c0_i32_0 = arith.constant 0 : i32
    return %arg0, %c0_i32 : i32, i32
  }
  func.func @transform_3(%arg0: i32) -> (i32, i32) {
    %c0_i32 = arith.constant 0 : i32
    %c0_i32_0 = arith.constant 0 : i32
    return %arg0, %c0_i32 : i32, i32
  }
  func.func @transform_4(%arg0: i32) -> (i32, i32) {
    %c0_i32 = arith.constant 0 : i32
    %c0_i32_0 = arith.constant 0 : i32
    return %arg0, %c0_i32 : i32, i32
  }
}

</mosaic_0001>

<sc_bundles>
// kernel: kernel.10.cloned.1.call-start
scs
__scs_entry_jumppad:
0x0: {  	(pc) =	sbr.rel $0x88, $3  }
0x1: {  	(tag) =	ssettag $0x0;
	lr =	simm.s32 $0x1  }
0x2: {  	[smem:$0x3F9A] =	sst lr;
	_ =	strace $0xD0000000  }
0x3: {  	_ = 	snop  }
0x4: {  	_ = 	snop  }
0x5: {  	_ = 	snop  }
0x6: {  	_ = 	snop  }
0x7: {  	_ = 	snop  }
__scs_overlays_trampoline_lowered:
0x8: {  	[smem:$0x3FA9] =	sst s0  }
0x9: {  	[smem:$0x3FAA] =	sst s1  }
0xa: {  	[smem:$0x3FAB] =	sst s2  }
0xb: {  	[smem:$0x3FAC] =	sst s3  }
0xc: {  	[smem:$0x3FAD] =	sst s4  }
0xd: {  	[smem:$0x3FAE] =	sst s5  }
0xe: {  	[smem:$0x3FAF] =	sst s6  }
0xf: {  	[smem:$0x3FB0] =	sst s7  }
0x10: {  	[smem:$0x3FB1] =	sst s8  }
0x11: {  	[smem:$0x3FB2] =	sst s9;
	s0 =	simm.s32 @!p0 $0x0  }
0x12: {  	s1 =	sld [smem:$0x3F98];
	s0 =	simm.s32 @p0 $0x1  }
0x13: {  	[smem:$0x3FB3] =	sst s0;
	s0 =	simm.s32 @!p1 $0x0  }
0x14: {  	s2 =	sld [smem:$0x3F97];
	s0 =	simm.s32 @p1 $0x1  }
0x15: {  	[smem:$0x3FB4] =	sst s0;
	s0 =	simm.s32 @!p2 $0x0  }
0x16: {  	s3 =	sld [smem:$0x3FDB];
	s0 =	simm.s32 @p2 $0x1  }
0x17: {  	s4 =	simm.s32 $0x1BF5;
	[smem:$0x3FB6] =	sst s0  }
0x18: {  	s0 =	sld [smem:$0x3F99];
	_ =	swait.ge [sflag:s4], $0x0  }
0x19: {  	s7 =	sld [smem:$0x3F9A]  }
0x1a: {  	s8 =	sadd.s32 $0xFFFFE003, lr  }
0x1b: {  	s9 =	sadd.s32 $0xFFFFFEF7, lr;
	s5 =	simm.s32 $0xFFFFFFFF;
	p2 =	slt.u32 s8, $0xFFFFF086  }
0x1c: {  	p1 =	slt.u32 s9, $0xF7A;
	s5 =	simm.s32 @!p2 $0x0  }
0x1d: {  	s5 =	simm.s32 @p1 $0x1;
	p0 =	seq.s32 s7, s2  }
0x1e: {  	s7 =	smul.u32 @!p0 $0xF7A, s2;
	p2 =	seq.s32 @!p0 s5, $0x0  }
0x1f: {  	s9 =	smul.u32 $0xF7A, s1;
	s8 =	simm.s32 @!p0 $0x1BF5;
	p2 =	por !p2, p0  }
0x20: {  	[sflag:s8] =	ssyncset.s32 @!p0 $0xFFFFF086;
	s6 =	sadd.s32 @!p0 s3, s7;
	s7 =	simm.s32 @!p0 $0x108  }
0x21: {  	s3 =	sadd.s32 s3, s9;
	s6 =	sadd.s32 @!p0 $0x88, s6;
	s7 =	simm.s32 @p2 $0x1082  }
0x22: {  	[simem:s7], [sflag:s8] =	dma.local @!p0 [hbm:s6], $0xF7A  }
0x23: {  	s9 =	sor.u32 $0xD0000000, s2;
	s6 =	simm.s32 $0x108;
	_ =	swait.ge @!p0 [sflag:s8], $0x0  }
0x24: {  	s3 =	sadd.s32 $0x88, s3;
	s6 =	simm.s32 @!p1 $0x1082;
	[sflag:s4] =	ssyncset.s32 $0xFFFFF086  }
0x25: {  	[simem:s6], [sflag:s4] =	dma.local [hbm:s3], $0xF7A  }
0x26: {  	[smem:$0x3F9A] =	sst s1;
	(tag) =	ssettag s2;
	_ =	strace s9  }
0x27: {  	s1 =	sld [smem:$0x3FAA]  }
0x28: {  	s2 =	sld [smem:$0x3FAB]  }
0x29: {  	s4 =	sld [smem:$0x3FAD]  }
0x2a: {  	p0 =	seq.s32 s5, $0x0;
	s5 =	sld [smem:$0x3FAE]  }
0x2b: {  	s6 =	sld [smem:$0x3FAF]  }
0x2c: {  	s7 =	sld [smem:$0x3FB0]  }
0x2d: {  	s3 =	simm.s32 $0x108;
	s8 =	sld [smem:$0x3FB1]  }
0x2e: {  	s3 =	simm.s32 @!p0 $0x1082;
	s9 =	sld [smem:$0x3FB2]  }
0x2f: {  	lr =	sadd.s32 s0, s3;
	s0 =	sld [smem:$0x3FA9]  }
0x30: {  	s3 =	sld [smem:$0x3FAC]  }
0x31: {  	[smem:$0x3FB5] =	sst s10  }
0x32: {  	s10 =	sld [smem:$0x3FB3];
	_ =	sdelay $0x3  }
0x33: {  	p0 =	seq.s32 s10, $0x1;
	s10 =	sld [smem:$0x3FB5];
	_ =	sdelay $0x3  }
0x34: {  	[smem:$0x3FB5] =	sst s10  }
0x35: {  	s10 =	sld [smem:$0x3FB4];
	_ =	sdelay $0x3  }
0x36: {  	p1 =	seq.s32 s10, $0x1;
	s10 =	sld [smem:$0x3FB5];
	_ =	sdelay $0x3  }
0x37: {  	[smem:$0x3FB5] =	sst s10  }
0x38: {  	s10 =	sld [smem:$0x3FB6]  }
0x39: {  	_ = 	snop;
	(pc) =	sbr.ind lr, $3  }
0x3a: {  	_ = 	snop  }
0x3b: {  	_ = 	snop  }
0x3c: {  	p2 =	seq.s32 s10, $0x1;
	s10 =	sld [smem:$0x3FB5]  }
0x3d: {  	_ =	shalt  }
0x3e: {  	_ =	shalt  }
0x3f: {  	_ =	shalt  }
0x40: {  	_ =	shalt  }
0x41: {  	_ =	shalt  }
0x42: {  	_ =	shalt  }
0x43: {  	_ =	shalt  }
0x44: {  	_ =	shalt  }
0x45: {  	_ =	shalt  }
0x46: {  	_ =	shalt  }
0x47: {  	_ =	shalt  }
0x48: {  	_ =	shalt  }
0x49: {  	_ =	shalt  }
0x4a: {  	_ =	shalt  }
0x4b: {  	_ =	shalt  }
0x4c: {  	_ =	shalt  }
0x4d: {  	_ =	shalt  }
0x4e: {  	_ =	shalt  }
0x4f: {  	_ =	shalt  }
0x50: {  	_ =	shalt  }
0x51: {  	_ =	shalt  }
0x52: {  	_ =	shalt  }
0x53: {  	_ =	shalt  }
0x54: {  	_ =	shalt  }
0x55: {  	_ =	shalt  }
0x56: {  	_ =	shalt  }
0x57: {  	_ =	shalt  }
0x58: {  	_ =	shalt  }
0x59: {  	_ =	shalt  }
0x5a: {  	_ =	shalt  }
0x5b: {  	_ =	shalt  }
0x5c: {  	_ =	shalt  }
0x5d: {  	_ =	shalt  }
0x5e: {  	_ =	shalt  }
0x5f: {  	_ =	shalt  }
0x60: {  	_ =	shalt  }
0x61: {  	_ =	shalt  }
0x62: {  	_ =	shalt  }
0x63: {  	_ =	shalt  }
0x64: {  	_ =	shalt  }
0x65: {  	_ =	shalt  }
0x66: {  	_ =	shalt  }
0x67: {  	_ =	shalt  }
0x68: {  	_ =	shalt  }
0x69: {  	_ =	shalt  }
0x6a: {  	_ =	shalt  }
0x6b: {  	_ =	shalt  }
0x6c: {  	_ =	shalt  }
0x6d: {  	_ =	shalt  }
0x6e: {  	_ =	shalt  }
0x6f: {  	_ =	shalt  }
0x70: {  	_ =	shalt  }
0x71: {  	_ =	shalt  }
0x72: {  	_ =	shalt  }
0x73: {  	_ =	shalt  }
0x74: {  	_ =	shalt  }
0x75: {  	_ =	shalt  }
0x76: {  	_ =	shalt  }
0x77: {  	_ =	shalt  }
0x78: {  	_ =	shalt  }
0x79: {  	_ =	shalt  }
0x7a: {  	_ =	shalt  }
0x7b: {  	_ =	shalt  }
0x7c: {  	_ =	shalt  }
0x7d: {  	_ =	shalt  }
0x7e: {  	_ =	shalt  }
0x7f: {  	_ =	shalt  }
0x80: {  	_ =	shalt  }
0x81: {  	_ =	shalt  }
0x82: {  	_ =	shalt  }
0x83: {  	_ =	shalt  }
0x84: {  	_ =	shalt  }
0x85: {  	_ =	shalt  }
0x86: {  	_ =	shalt  }
0x87: {  	_ =	shalt  }
.Lfunc_end0:
.L_simem_size_0:
called_computation.1_lowered:
.L_overlay_start_0:
0x88: {  	s2 =	sld [smem:$0x3FD9]  }
0x89: {  	s3 =	sld [smem:$0x3FFE];
	_ =	sdelay $0x1  }
0x8a: {  	s1 =	srdreg.scid  }
0x8b: {  	s0 =	sand.u32 $0x1, s1  }
0x8c: {  	s17 =	sshll.u32 s0, $0xA;
	s2 =	sadd.s32 s3, s2  }
0x8d: {  	s2 =	sadd.s32 s2, s17  }
0x8e: {  	[smem:$0x3FC1] =	sst s2  }
0x8f: {  	_ = 	snop  }
0x90: {  	s2 =	sld [smem:$0x3FD0];
	(tm) =	ssettm $0x1  }
0x91: {  	s18 =	sld [smem:$0x3FFB];
	_ =	sdelay $0x3  }
0x92: {  	_ =	strace s18  }
0x93: {  	s3 =	sld [smem:$0x3FFC];
	_ =	sdelay $0x3  }
0x94: {  	_ =	strace s3  }
0x95: {  	s3 =	sld [smem:$0x3FFD];
	_ =	sdelay $0x3  }
0x96: {  	_ =	strace s3  }
0x97: {  	_ =	strace $0x8FFFFFFF  }
0x98: {  	s19 =	sld [smem:$0x3FDB];
	_ =	sdelay $0x1  }
0x99: {  	s4 =	simm.s32 $_scs_section_size  }
0x9a: {  	s5 =	simm.s32 $_size__tile_overlayer_lowered;
	s6 =	simm.s32 $_tile_overlayer_lowered  }
0x9b: {  	s22 =	simm.s32 $0x1BFF;
	s21 =	sshll.u32 s6, $0x1;
	s3 =	sadd.s32 s4, s19  }
0x9c: {  	s7 =	simm.s32 $0x0;
	s20 =	sshll.u32 s5, $0x1;
	s5 =	sadd.s32 s21, s3  }
0x9d: {  	[timem:s7], [sflag:s22] =	dma.local [hbm:s5], s20  }
0x9e: {  	_ =	swait.ge [sflag:s22], s20  }
0x9f: {  	s4 =	ssub.s32 $0x0, s20;
	[sflag:s22] =	ssyncset.done $0x0  }
0xa0: {  	[sflag:s22] =	ssyncadd.s32 s4;
	_ =	sdelay $0x1  }
0xa1: {  	s23 =	simm.s32 $0x1B8B  }
0xa2: {  	_ =	swait.ge [sflag:s23], $0x1  }
0xa3: {  	[sflag:s23] =	ssyncset.done $0x0  }
0xa4: {  	s25 =	simm.s32 $0x1B8E;
	s24 =	sld [smem:$0x3FFE];
	[sflag:s23] =	ssyncadd.s32 $0xFFFFFFFF  }
0xa5: {  	s26 =	simm.s32 $execute0_lowered;
	[smem:$0x3FD2] =	sst s25  }
0xa6: {  	s5 =	sshll.u32 s26, $0x1;
	_ =	strace $0x80000049;
	[dreg:$0x1] =	wrdreg $0xFFFFFFFF  }
0xa7: {  	s28 =	simm.s32 $_size_execute0_lowered;
	s3 =	sadd.s32 s3, s5;
	[dreg:$0x0] =	wrdreg $0x0  }
0xa8: {  	s5 =	sshll.u32 s28, $0x1;
	[dreg:$0x2] =	wrdreg s3  }
0xa9: {  	[dreg:$0x3] =	wrdreg s5  }
0xaa: {  	[dreg:$0x4] =	wrdreg $0xC0  }
0xab: {  	_ =	task [dreg:s7], $0x5FFFF  }
0xac: {  	[dreg:$0x1] =	wrdreg $0xFFFFFFFF  }
0xad: {  	[dreg:$0x0] =	wrdreg $0x60  }
0xae: {  	[dreg:$0x2] =	wrdreg s24  }
0xaf: {  	[dreg:$0x3] =	wrdreg s2  }
0xb0: {  	[dreg:$0x4] =	wrdreg $0x9  }
0xb1: {  	_ =	task.clear_ibuf [dreg:s7], $0x5FFFF;
	_ =	strace $0x90000049  }
0xb2: {  	s29 =	simm.s32 $0x9;
	_ =	strace $0x8000004B  }
0xb3: {  	_ =	swait.ge [sflag:s29], $0x1  }
0xb4: {  	[sflag:s29] =	ssyncadd.s32 $0xFFFFFFFF  }
0xb5: {  	_ =	strace $0x9000004B  }
0xb6: {  	_ =	sfence  }
0xb7: {  	s30 =	sld [smem:$0x0];
	_ =	sdelay $0x2  }
0xb8: {  	s31 =	sshll.u32 s1, $0xD;
	s1 =	sshrl.u32 s1, $0x2  }
0xb9: {  	s3 =	sand.u32 $0x4000, s31;
	s1 =	sadd.s32 s1, s30  }
0xba: {  	s0 =	sor.u32 s3, s0;
	s1 =	sshll.u32 s1, $0x11  }
0xbb: {  	s0 =	sor.u32 s1, s0  }
0xbc: {  	s0 =	sadd.s32 $0x8F2B, s0  }
0xbd: {  	[sflag:s0] =	ssyncadd.remote.s32 $0x1  }
0xbe: {  	_ =	sfence.sel $0xFFFF  }
0xbf: {  	[dreg:$0x0] =	wrdreg $0xFFFFFFFF;
	(pc) =	sbr.abs _section_cstart, $3  }
0xc0: {  	[dreg:$0x1] =	wrdreg $0xFFFFFFFF  }
0xc1: {  	_ =	task.clear_ibuf [dreg:s7], $0x2FFFF;
	_ =	strace $0x9FFFFFFF  }
0xc2: {  	(tm) =	ssettm $0x7FFFFFFF  }
0xc3: {  	_ =	shalt  }
tec
execute0_lowered:
.L_overlay_start_1:
0x0: {  	(tag) =	ssettag $0x1  }
0x1: {  	s2 =	srdreg.scid;
	s1 =	rddreg [dreg:$0x0]  }
0x2: {  	s3 =	rddreg [dreg:$0x1];
	s4 =	sand.u32 $0x1, s2;
	s2 =	simm.s32 $0x0  }
0x3: {  	s22 =	simm.s32 $0x80;
	[smem:$0x7FF] =	sst s2  }
0x4: {  	s23 =	simm.s32 $0x900;
	_ =	strace $0x8000004A;
	[dreg:$0x7] =	wrdreg s22  }
0x5: {  	s24 =	simm.s32 $0x1100;
	[dreg:$0x8] =	wrdreg s23  }
0x6: {  	s25 =	simm.s32 $0x1900;
	[dreg:$0x9] =	wrdreg s24  }
0x7: {  	s0 =	stileid.u32;
	s26 =	simm.s32 $0x2100;
	[dreg:$0xa] =	wrdreg s25  }
0x8: {  	s5 =	sshll.u32 s0, $0x4;
	s0 =	simm.s32 $0x2900;
	[dreg:$0xb] =	wrdreg s26  }
0x9: {  	s8 =	simm.s32 $0x4900;
	[dreg:$0xc] =	wrdreg s0  }
0xa: {  	s9 =	simm.s32 $0x5100;
	[dreg:$0x10] =	wrdreg s8  }
0xb: {  	s10 =	simm.s32 $0x5900;
	[dreg:$0x11] =	wrdreg s9  }
0xc: {  	s11 =	simm.s32 $0x6100;
	s12 =	simm.s32 $0x6900;
	[dreg:$0x12] =	wrdreg s10  }
0xd: {  	s13 =	simm.s32 $0x7100;
	s14 =	simm.s32 $0x7900;
	[dreg:$0x13] =	wrdreg s11  }
0xe: {  	s15 =	simm.s32 $0x8100;
	s16 =	simm.s32 $0x8900;
	[dreg:$0x14] =	wrdreg s12  }
0xf: {  	s17 =	simm.s32 $0x9100;
	s18 =	simm.s32 $0x9900;
	[dreg:$0x15] =	wrdreg s13  }
0x10: {  	s28 =	simm.s32 $0x16900;
	s29 =	simm.s32 $0x17100;
	[dreg:$0x16] =	wrdreg s14  }
0x11: {  	s30 =	simm.s32 $0x17900;
	s31 =	simm.s32 $0x1;
	[dreg:$0x17] =	wrdreg s15  }
0x12: {  	s6 =	sshll.u32 s4, $0x3;
	s4 =	ssub.s32 $0x2, s4;
	[dreg:$0x18] =	wrdreg s16  }
0x13: {  	s5 =	sor.u32 s6, s5;
	[dreg:$0x19] =	wrdreg s17;
	s19 =	sshrl.u32 s4, $0x1  }
0x14: {  	[dreg:$0x1a] =	wrdreg s18;
	s22 =	simm.s32 $0xB100;
	s23 =	simm.s32 $0xB900  }
0x15: {  	s24 =	simm.s32 $0xC900;
	s25 =	simm.s32 $0xD100;
	s8 =	simm.s32 $0x100  }
0x16: {  	s26 =	simm.s32 $0xD900;
	s9 =	simm.s32 $0xC100;
	s11 =	simm.s32 $0xE900  }
0x17: {  	s12 =	simm.s32 $0xF100;
	s13 =	simm.s32 $0xF900;
	[dreg:$0x1d] =	wrdreg s22  }
0x18: {  	s14 =	simm.s32 $0x10100;
	s15 =	simm.s32 $0x10900;
	[dreg:$0x1e] =	wrdreg s23  }
0x19: {  	s16 =	simm.s32 $0x11100;
	s17 =	simm.s32 $0x11900;
	[dreg:$0x1f] =	wrdreg s24  }
0x1a: {  	s18 =	simm.s32 $0x12100;
	s6 =	sadd.s32 s5, s1;
	[smem:$0x7FC] =	sst s25  }
0x1b: {  	s5 =	smul.u32 $0x300, s5;
	[smem:$0x7FD] =	sst s26;
	s7 =	sadd.s32 $0x1400, s6  }
0x1c: {  	s22 =	simm.s32 $0x14100;
	s6 =	sadd.s32 $0x1600, s6;
	[dreg:$0x3] =	wrdreg s7  }
0x1d: {  	s23 =	simm.s32 $0x14900;
	[dreg:$0x4] =	wrdreg s6;
	s3 =	sadd.s32 s3, s5  }
0x1e: {  	s20 =	sadd.s32 s5, s1;
	s5 =	simm.s32 $0x3100;
	[dreg:$0x5] =	wrdreg s3  }
0x1f: {  	s24 =	simm.s32 $0x15100;
	s6 =	simm.s32 $0x3900;
	[dreg:$0xd] =	wrdreg s5  }
0x20: {  	s25 =	simm.s32 $0x15900;
	s7 =	simm.s32 $0x4100;
	[dreg:$0xe] =	wrdreg s6  }
0x21: {  	s26 =	simm.s32 $0x16100;
	s21 =	sadd.s32 $0x91800, s20;
	[dreg:$0xf] =	wrdreg s7  }
0x22: {  	s3 =	sadd.s32 $0x1800, s1;
	s20 =	simm.s32 $0xA100;
	s6 =	ssub.s32 s4, s19  }
0x23: {  	s4 =	sadd.s32 $0x1900, s1;
	s5 =	sadd.s32 $0x1A00, s1;
	s7 =	simm.s32 $0x3  }
0x24: {  	v2 =	vlaneseq.u32;
	s19 =	simm.s32 $0x12900;
	s1 =	simm.s32 $0x2;
	[dreg:$0x6] =	wrdreg s21  }
0x25: {  	vm0 =	vmmov $0xffff;
	v1 =	vshrl.u32 v2, $0x3;
	[dreg:$0x1b] =	wrdreg s20;
	s21 =	simm.s32 $0xA900;
	s6 =	smax.u32 s6, $0x1  }
0x26: {  	v0 =	vand.u32 $0x7, v2;
	v2 =	vor.u32 $0x8, v2;
	v1 =	vmul.u32 $0x8, v1;
	s20 =	simm.s32 $0x13100;
	[dreg:$0x1c] =	wrdreg s21;
	s21 =	simm.s32 $0x13900  }
.LBB2_1:
0x27: {  	s0 =	rddreg [dreg:$0x3]  }
0x28: {  	[tilespmem:s2], [sflag:$0x3] =	stream.linear.gather [hbm4b:s0+s2], $0x40, $0x38;
	[tilespmem:$0x18100] =	vst v63  }
0x29: {  	_ =	swait.ge [sflag:s7], $0x40  }
0x2a: {  	s0 =	rddreg [dreg:$0x4];
	[sflag:s7] =	ssyncset.done $0x0  }
0x2b: {  	s10 =	rddreg [dreg:$0x7];
	[sflag:s7] =	ssyncadd.s32 $0xFFFFFFC0  }
0x2c: {  	[tilespmem:s10], [sflag:$0x3] =	stream.linear.gather [hbm4b:s0+s2], $0x40, $0x38;
	[tilespmem:$0x18100] =	vst v63  }
0x2d: {  	_ =	swait.ge [sflag:s7], $0x40  }
0x2e: {  	[sflag:s7] =	ssyncset.done $0x0  }
0x2f: {  	[sflag:s7] =	ssyncadd.s32 $0xFFFFFFC0  }
0x30: {  	v3 =	vld [tilespmem:$0x0];
	_ =	sdelay $0x4  }
0x31: {  	v4 =	vshrl.u32 v3, $0x3  }
0x32: {  	v4 =	vmul.u32 $0x30, v4  }
0x33: {  	v3 =	vand.u32 $0x7, v3  }
0x34: {  	v3 =	vor.u32 v3, v4  }
0x35: {  	v4 =	vperm.xlane v3, v0;
	_ =	sdelay $0x1  }
0x36: {  	v4 =	vadd.s32 v1, v4;
	_ =	sdelay $0x3  }
0x37: {  	v3 =	vperm.xlane v3, v2  }
0x38: {  	[tilespmem:s8], [sflag:$0x1] =	stream.indirect_vreg.gather [hbm4b:s3+s2], $0x80, v4, vm0, $0xb8;
	[tilespmem:$0x18100] =	vst v63  }
0x39: {  	s0 =	rddreg [dreg:$0x8];
	v3 =	vadd.s32 v1, v3  }
0x3a: {  	[tilespmem:s0], [sflag:$0x1] =	stream.indirect_vreg.gather [hbm4b:s4+s2], $0x80, v4, vm0, $0xb8;
	[tilespmem:$0x18100] =	vst v63  }
0x3b: {  	s10 =	rddreg [dreg:$0x9]  }
0x3c: {  	[tilespmem:s10], [sflag:$0x1] =	stream.indirect_vreg.gather [hbm4b:s5+s2], $0x80, v4, vm0, $0xb8;
	[tilespmem:$0x18100] =	vst v63  }
0x3d: {  	s0 =	rddreg [dreg:$0xa]  }
0x3e: {  	[tilespmem:s0], [sflag:$0x1] =	stream.indirect_vreg.gather [hbm4b:s3+s2], $0x80, v3, vm0, $0xb8;
	[tilespmem:$0x18100] =	vst v63  }
0x3f: {  	s10 =	rddreg [dreg:$0xb]  }
0x40: {  	[tilespmem:s10], [sflag:$0x1] =	stream.indirect_vreg.gather [hbm4b:s4+s2], $0x80, v3, vm0, $0xb8;
	[tilespmem:$0x18100] =	vst v63  }
0x41: {  	s0 =	rddreg [dreg:$0xc]  }
0x42: {  	[tilespmem:s0], [sflag:$0x1] =	stream.indirect_vreg.gather [hbm4b:s5+s2], $0x80, v3, vm0, $0xb8;
	[tilespmem:$0x18100] =	vst v63  }
0x43: {  	v3 =	vld [tilespmem:$0x10];
	_ =	sdelay $0x4  }
0x44: {  	v57 =	vshrl.u32 v3, $0x3  }
0x45: {  	v4 =	vmul.u32 $0x30, v57  }
0x46: {  	v3 =	vand.u32 $0x7, v3  }
0x47: {  	v3 =	vor.u32 v3, v4  }
0x48: {  	v4 =	vperm.xlane v3, v0;
	_ =	sdelay $0x1  }
0x49: {  	v4 =	vadd.s32 v1, v4;
	_ =	sdelay $0x3  }
0x4a: {  	s0 =	rddreg [dreg:$0xd];
	v3 =	vperm.xlane v3, v2  }
0x4b: {  	[tilespmem:s0], [sflag:$0x1] =	stream.indirect_vreg.gather [hbm4b:s3+s2], $0x80, v4, vm0, $0xb8;
	[tilespmem:$0x18100] =	vst v63  }
0x4c: {  	s10 =	rddreg [dreg:$0xe];
	v3 =	vadd.s32 v1, v3  }
0x4d: {  	[tilespmem:s10], [sflag:$0x1] =	stream.indirect_vreg.gather [hbm4b:s4+s2], $0x80, v4, vm0, $0xb8;
	[tilespmem:$0x18100] =	vst v63  }
0x4e: {  	s0 =	rddreg [dreg:$0xf]  }
0x4f: {  	[tilespmem:s0], [sflag:$0x1] =	stream.indirect_vreg.gather [hbm4b:s5+s2], $0x80, v4, vm0, $0xb8;
	[tilespmem:$0x18100] =	vst v63  }
0x50: {  	s10 =	rddreg [dreg:$0x10]  }
0x51: {  	[tilespmem:s10], [sflag:$0x1] =	stream.indirect_vreg.gather [hbm4b:s3+s2], $0x80, v3, vm0, $0xb8;
	[tilespmem:$0x18100] =	vst v63  }
0x52: {  	s0 =	rddreg [dreg:$0x11]  }
0x53: {  	[tilespmem:s0], [sflag:$0x1] =	stream.indirect_vreg.gather [hbm4b:s4+s2], $0x80, v3, vm0, $0xb8;
	[tilespmem:$0x18100] =	vst v63  }
0x54: {  	s10 =	rddreg [dreg:$0x12]  }
0x55: {  	[tilespmem:s10], [sflag:$0x1] =	stream.indirect_vreg.gather [hbm4b:s5+s2], $0x80, v3, vm0, $0xb8;
	[tilespmem:$0x18100] =	vst v63  }
0x56: {  	v3 =	vld [tilespmem:$0x20];
	_ =	sdelay $0x4  }
0x57: {  	v58 =	vshrl.u32 v3, $0x3  }
0x58: {  	v4 =	vmul.u32 $0x30, v58  }
0x59: {  	v3 =	vand.u32 $0x7, v3  }
0x5a: {  	v3 =	vor.u32 v3, v4  }
0x5b: {  	v4 =	vperm.xlane v3, v0;
	_ =	sdelay $0x1  }
0x5c: {  	v4 =	vadd.s32 v1, v4;
	_ =	sdelay $0x3  }
0x5d: {  	s0 =	rddreg [dreg:$0x13];
	v3 =	vperm.xlane v3, v2  }
0x5e: {  	[tilespmem:s0], [sflag:$0x1] =	stream.indirect_vreg.gather [hbm4b:s3+s2], $0x80, v4, vm0, $0xb8;
	[tilespmem:$0x18100] =	vst v63  }
0x5f: {  	s10 =	rddreg [dreg:$0x14];
	v3 =	vadd.s32 v1, v3  }
0x60: {  	[tilespmem:s10], [sflag:$0x1] =	stream.indirect_vreg.gather [hbm4b:s4+s2], $0x80, v4, vm0, $0xb8;
	[tilespmem:$0x18100] =	vst v63  }
0x61: {  	s0 =	rddreg [dreg:$0x15]  }
0x62: {  	[tilespmem:s0], [sflag:$0x1] =	stream.indirect_vreg.gather [hbm4b:s5+s2], $0x80, v4, vm0, $0xb8;
	[tilespmem:$0x18100] =	vst v63  }
0x63: {  	s10 =	rddreg [dreg:$0x16]  }
0x64: {  	[tilespmem:s10], [sflag:$0x1] =	stream.indirect_vreg.gather [hbm4b:s3+s2], $0x80, v3, vm0, $0xb8;
	[tilespmem:$0x18100] =	vst v63  }
0x65: {  	s0 =	rddreg [dreg:$0x17]  }
0x66: {  	[tilespmem:s0], [sflag:$0x1] =	stream.indirect_vreg.gather [hbm4b:s4+s2], $0x80, v3, vm0, $0xb8;
	[tilespmem:$0x18100] =	vst v63  }
0x67: {  	s10 =	rddreg [dreg:$0x18]  }
0x68: {  	[tilespmem:s10], [sflag:$0x1] =	stream.indirect_vreg.gather [hbm4b:s5+s2], $0x80, v3, vm0, $0xb8;
	[tilespmem:$0x18100] =	vst v63  }
0x69: {  	v3 =	vld [tilespmem:$0x30];
	_ =	sdelay $0x4  }
0x6a: {  	v59 =	vshrl.u32 v3, $0x3  }
0x6b: {  	v4 =	vmul.u32 $0x30, v59  }
0x6c: {  	v3 =	vand.u32 $0x7, v3  }
0x6d: {  	v3 =	vor.u32 v3, v4  }
0x6e: {  	v4 =	vperm.xlane v3, v0;
	_ =	sdelay $0x1  }
0x6f: {  	v4 =	vadd.s32 v1, v4;
	_ =	sdelay $0x3  }
0x70: {  	s0 =	rddreg [dreg:$0x19];
	v3 =	vperm.xlane v3, v2  }
0x71: {  	[tilespmem:s0], [sflag:$0x1] =	stream.indirect_vreg.gather [hbm4b:s3+s2], $0x80, v4, vm0, $0xb8;
	[tilespmem:$0x18100] =	vst v63  }
0x72: {  	s10 =	rddreg [dreg:$0x1a];
	v3 =	vadd.s32 v1, v3  }
0x73: {  	[tilespmem:s10], [sflag:$0x1] =	stream.indirect_vreg.gather [hbm4b:s4+s2], $0x80, v4, vm0, $0xb8;
	[tilespmem:$0x18100] =	vst v63  }
0x74: {  	s0 =	rddreg [dreg:$0x1b]  }
0x75: {  	[tilespmem:s0], [sflag:$0x1] =	stream.indirect_vreg.gather [hbm4b:s5+s2], $0x80, v4, vm0, $0xb8;
	[tilespmem:$0x18100] =	vst v63  }
0x76: {  	s10 =	rddreg [dreg:$0x1c]  }
0x77: {  	[tilespmem:s10], [sflag:$0x1] =	stream.indirect_vreg.gather [hbm4b:s3+s2], $0x80, v3, vm0, $0xb8;
	[tilespmem:$0x18100] =	vst v63  }
0x78: {  	s0 =	rddreg [dreg:$0x1d]  }
0x79: {  	[tilespmem:s0], [sflag:$0x1] =	stream.indirect_vreg.gather [hbm4b:s4+s2], $0x80, v3, vm0, $0xb8;
	[tilespmem:$0x18100] =	vst v63  }
0x7a: {  	s10 =	rddreg [dreg:$0x1e]  }
0x7b: {  	[tilespmem:s10], [sflag:$0x1] =	stream.indirect_vreg.gather [hbm4b:s5+s2], $0x80, v3, vm0, $0xb8;
	[tilespmem:$0x18100] =	vst v63  }
0x7c: {  	v3 =	vld [tilespmem:$0x80];
	_ =	sdelay $0x4  }
0x7d: {  	v60 =	vshrl.u32 v3, $0x3  }
0x7e: {  	v4 =	vmul.u32 $0x30, v60  }
0x7f: {  	v3 =	vand.u32 $0x7, v3  }
0x80: {  	v3 =	vor.u32 v3, v4  }
0x81: {  	v4 =	vperm.xlane v3, v0;
	_ =	sdelay $0x1  }
0x82: {  	v4 =	vadd.s32 v1, v4;
	_ =	sdelay $0x3  }
0x83: {  	s0 =	rddreg [dreg:$0x1f];
	v3 =	vperm.xlane v3, v2  }
0x84: {  	[tilespmem:s9], [sflag:$0x2] =	stream.indirect_vreg.gather [hbm4b:s3+s2], $0x80, v4, vm0, $0xb8;
	[tilespmem:$0x18100] =	vst v63  }
0x85: {  	s10 =	sld [smem:$0x7FC];
	v3 =	vadd.s32 v1, v3  }
0x86: {  	[tilespmem:s0], [sflag:$0x2] =	stream.indirect_vreg.gather [hbm4b:s4+s2], $0x80, v4, vm0, $0xb8;
	[tilespmem:$0x18100] =	vst v63  }
0x87: {  	s0 =	sld [smem:$0x7FD]  }
0x88: {  	[tilespmem:s10], [sflag:$0x2] =	stream.indirect_vreg.gather [hbm4b:s5+s2], $0x80, v4, vm0, $0xb8;
	[tilespmem:$0x18100] =	vst v63  }
0x89: {  	_ = 	snop  }
0x8a: {  	[tilespmem:s0], [sflag:$0x2] =	stream.indirect_vreg.gather [hbm4b:s3+s2], $0x80, v3, vm0, $0xb8;
	[tilespmem:$0x18100] =	vst v63  }
0x8b: {  	s10 =	simm.s32 $0xE100  }
0x8c: {  	[tilespmem:s10], [sflag:$0x2] =	stream.indirect_vreg.gather [hbm4b:s4+s2], $0x80, v3, vm0, $0xb8;
	[tilespmem:$0x18100] =	vst v63  }
0x8d: {  	_ = 	snop  }
0x8e: {  	[tilespmem:s11], [sflag:$0x2] =	stream.indirect_vreg.gather [hbm4b:s5+s2], $0x80, v3, vm0, $0xb8;
	[tilespmem:$0x18100] =	vst v63  }
0x8f: {  	v3 =	vld [tilespmem:$0x90];
	_ =	sdelay $0x4  }
0x90: {  	v61 =	vshrl.u32 v3, $0x3  }
0x91: {  	v4 =	vmul.u32 $0x30, v61  }
0x92: {  	v3 =	vand.u32 $0x7, v3  }
0x93: {  	v3 =	vor.u32 v3, v4  }
0x94: {  	v4 =	vperm.xlane v3, v0;
	_ =	sdelay $0x1  }
0x95: {  	v4 =	vadd.s32 v1, v4;
	_ =	sdelay $0x3  }
0x96: {  	v3 =	vperm.xlane v3, v2  }
0x97: {  	[tilespmem:s12], [sflag:$0x2] =	stream.indirect_vreg.gather [hbm4b:s3+s2], $0x80, v4, vm0, $0xb8;
	[tilespmem:$0x18100] =	vst v63  }
0x98: {  	v3 =	vadd.s32 v1, v3  }
0x99: {  	[tilespmem:s13], [sflag:$0x2] =	stream.indirect_vreg.gather [hbm4b:s4+s2], $0x80, v4, vm0, $0xb8;
	[tilespmem:$0x18100] =	vst v63  }
0x9a: {  	_ = 	snop  }
0x9b: {  	[tilespmem:s14], [sflag:$0x2] =	stream.indirect_vreg.gather [hbm4b:s5+s2], $0x80, v4, vm0, $0xb8;
	[tilespmem:$0x18100] =	vst v63  }
0x9c: {  	_ = 	snop  }
0x9d: {  	[tilespmem:s15], [sflag:$0x2] =	stream.indirect_vreg.gather [hbm4b:s3+s2], $0x80, v3, vm0, $0xb8;
	[tilespmem:$0x18100] =	vst v63  }
0x9e: {  	_ = 	snop  }
0x9f: {  	[tilespmem:s16], [sflag:$0x2] =	stream.indirect_vreg.gather [hbm4b:s4+s2], $0x80, v3, vm0, $0xb8;
	[tilespmem:$0x18100] =	vst v63  }
0xa0: {  	_ = 	snop  }
0xa1: {  	[tilespmem:s17], [sflag:$0x2] =	stream.indirect_vreg.gather [hbm4b:s5+s2], $0x80, v3, vm0, $0xb8;
	[tilespmem:$0x18100] =	vst v63  }
0xa2: {  	v3 =	vld [tilespmem:$0xA0];
	_ =	sdelay $0x4  }
0xa3: {  	v62 =	vshrl.u32 v3, $0x3  }
0xa4: {  	v4 =	vmul.u32 $0x30, v62  }
0xa5: {  	v3 =	vand.u32 $0x7, v3  }
0xa6: {  	v3 =	vor.u32 v3, v4  }
0xa7: {  	v4 =	vperm.xlane v3, v0;
	_ =	sdelay $0x1  }
0xa8: {  	v4 =	vadd.s32 v1, v4;
	_ =	sdelay $0x3  }
0xa9: {  	v3 =	vperm.xlane v3, v2  }
0xaa: {  	[tilespmem:s18], [sflag:$0x2] =	stream.indirect_vreg.gather [hbm4b:s3+s2], $0x80, v4, vm0, $0xb8;
	[tilespmem:$0x18100] =	vst v63  }
0xab: {  	v3 =	vadd.s32 v1, v3  }
0xac: {  	[tilespmem:s19], [sflag:$0x2] =	stream.indirect_vreg.gather [hbm4b:s4+s2], $0x80, v4, vm0, $0xb8;
	[tilespmem:$0x18100] =	vst v63  }
0xad: {  	_ = 	snop  }
0xae: {  	[tilespmem:s20], [sflag:$0x2] =	stream.indirect_vreg.gather [hbm4b:s5+s2], $0x80, v4, vm0, $0xb8;
	[tilespmem:$0x18100] =	vst v63  }
0xaf: {  	_ = 	snop  }
0xb0: {  	[tilespmem:s21], [sflag:$0x2] =	stream.indirect_vreg.gather [hbm4b:s3+s2], $0x80, v3, vm0, $0xb8;
	[tilespmem:$0x18100] =	vst v63  }
0xb1: {  	_ = 	snop  }
0xb2: {  	[tilespmem:s22], [sflag:$0x2] =	stream.indirect_vreg.gather [hbm4b:s4+s2], $0x80, v3, vm0, $0xb8;
	[tilespmem:$0x18100] =	vst v63  }
0xb3: {  	_ = 	snop  }
0xb4: {  	[tilespmem:s23], [sflag:$0x2] =	stream.indirect_vreg.gather [hbm4b:s5+s2], $0x80, v3, vm0, $0xb8;
	[tilespmem:$0x18100] =	vst v63  }
0xb5: {  	v3 =	vld [tilespmem:$0xB0];
	_ =	sdelay $0x4  }
0xb6: {  	v63 =	vshrl.u32 v3, $0x3  }
0xb7: {  	v4 =	vmul.u32 $0x30, v63  }
0xb8: {  	v3 =	vand.u32 $0x7, v3  }
0xb9: {  	v3 =	vor.u32 v3, v4  }
0xba: {  	v4 =	vperm.xlane v3, v0;
	_ =	sdelay $0x1  }
0xbb: {  	v4 =	vadd.s32 v1, v4;
	_ =	sdelay $0x3  }
0xbc: {  	v3 =	vperm.xlane v3, v2  }
0xbd: {  	[tilespmem:s24], [sflag:$0x2] =	stream.indirect_vreg.gather [hbm4b:s3+s2], $0x80, v4, vm0, $0xb8;
	[tilespmem:$0x18100] =	vst v63  }
0xbe: {  	v3 =	vadd.s32 v1, v3  }
0xbf: {  	[tilespmem:s25], [sflag:$0x2] =	stream.indirect_vreg.gather [hbm4b:s4+s2], $0x80, v4, vm0, $0xb8;
	[tilespmem:$0x18100] =	vst v63  }
0xc0: {  	_ = 	snop  }
0xc1: {  	[tilespmem:s26], [sflag:$0x2] =	stream.indirect_vreg.gather [hbm4b:s5+s2], $0x80, v4, vm0, $0xb8;
	[tilespmem:$0x18100] =	vst v63  }
0xc2: {  	_ = 	snop  }
0xc3: {  	[tilespmem:s28], [sflag:$0x2] =	stream.indirect_vreg.gather [hbm4b:s3+s2], $0x80, v3, vm0, $0xb8;
	[tilespmem:$0x18100] =	vst v63  }
0xc4: {  	_ = 	snop  }
0xc5: {  	[tilespmem:s29], [sflag:$0x2] =	stream.indirect_vreg.gather [hbm4b:s4+s2], $0x80, v3, vm0, $0xb8;
	[tilespmem:$0x18100] =	vst v63  }
0xc6: {  	_ = 	snop  }
0xc7: {  	[tilespmem:s30], [sflag:$0x2] =	stream.indirect_vreg.gather [hbm4b:s5+s2], $0x80, v3, vm0, $0xb8;
	[tilespmem:$0x18100] =	vst v63  }
0xc8: {  	_ =	swait.ge [sflag:s31], $0xC000  }
0xc9: {  	[sflag:s31] =	ssyncset.done $0x0  }
0xca: {  	[sflag:s31] =	ssyncadd.s32 $0xFFFF4000  }
0xcb: {  	_ =	swait.ge [sflag:s1], $0xC000  }
0xcc: {  	[sflag:s1] =	ssyncset.done $0x0  }
0xcd: {  	s10 =	rddreg [dreg:$0x5];
	[sflag:s1] =	ssyncadd.s32 $0xFFFF4000  }
0xce: {  	[hbm4b:s10+s2] =	stream.linear.scatter [tilespmem:s8], [sflag:$0x3], $0xC000, $0x38;
	[tilespmem:$0x18100] =	vst v63  }
0xcf: {  	_ =	swait.ge [sflag:s7], $0xC000  }
0xd0: {  	p0 =	sne.s32 s6, $0x1;
	[sflag:s7] =	ssyncset.done $0x0  }
.Ltmp0:
0xd1: {  	s10 =	rddreg [dreg:$0x6];
	[sflag:s7] =	ssyncadd.s32 $0xFFFF4000;
	(pc) =	sbr.rel @p0 .LBB2_1-.Ltmp0, $4  }
0xd2: {  	[hbm4b:s10+s2] =	stream.linear.scatter [tilespmem:s9], [sflag:$0x3], $0xC000, $0x38;
	[tilespmem:$0x18100] =	vst v63  }
0xd3: {  	_ =	swait.ge [sflag:s7], $0xC000  }
0xd4: {  	[sflag:s7] =	ssyncset.done $0x0  }
0xd5: {  	s6 =	sadd.s32 $0xFFFFFFFF, s6;
	[sflag:s7] =	ssyncadd.s32 $0xFFFF4000  }
0xd6: {  	_ =	sfence.sel $0x180000  }
0xd7: {  	[bflag:$0x0] =	sbarrier.arrive $0xFFFF  }
0xd8: {  	_ =	strace $0x9000004A  }
0xd9: {  	s0 =	stileid.u32;
	[bflag:$0x2] =	sbarrier.arrive $0xFFFF  }
0xda: {  	p0 =	sne.s32 s0, $0x0;
	s0 =	rddreg [dreg:$0x2]  }
0xdb: {  	s0 =	sadd.s32 @!p0 $0x100000, s0  }
0xdc: {  	[sflag:s0] =	ssyncadd.tile.s32 @!p0 $0x1;
	_ =	shalt  }
.Lfunc_end2:
_tile_overlayer_lowered:
.L_overlay_start_2:
0xdd: {  	(tag) =	ssettag $0x2  }
0xde: {  	s0 =	rddreg [dreg:$0x0];
	s2 =	stileid.u32  }
0xdf: {  	s1 =	rddreg [dreg:$0x1];
	p0 =	sne.s32 s2, $0x0  }
0xe0: {  	s3 =	rddreg [dreg:$0x2];
	[bflag:$0x3] =	sbarrier.arrive $0xFFFF;
	s2 =	simm.s32 @!p0 $0x1C03  }
0xe1: {  	[timem:s3], [sflag:s2] =	dma.local @!p0 [hbm:s0], s1  }
0xe2: {  	s0 =	simm.s32 @!p0 $0x3  }
0xe3: {  	_ =	swait.ge @!p0 [sflag:s0], s1  }
0xe4: {  	s1 =	ssub.s32 @!p0 $0x0, s1;
	[sflag:s0] =	ssyncset.done @!p0 $0x0  }
0xe5: {  	[sflag:s0] =	ssyncadd.s32 @!p0 s1  }
0xe6: {  	[bflag:$0x3] =	sbarrier.arrive $0xFFFF  }
0xe7: {  	_ =	shalt  }

// kernel: kernel.7.cloned.1.call-start
scs
__scs_entry_jumppad:
0x0: {  	(pc) =	sbr.rel $0x88, $3  }
0x1: {  	(tag) =	ssettag $0x0;
	lr =	simm.s32 $0x1  }
0x2: {  	[smem:$0x3F9A] =	sst lr;
	_ =	strace $0xD0000000  }
0x3: {  	_ = 	snop  }
0x4: {  	_ = 	snop  }
0x5: {  	_ = 	snop  }
0x6: {  	_ = 	snop  }
0x7: {  	_ = 	snop  }
__scs_overlays_trampoline_lowered:
0x8: {  	[smem:$0x3FA9] =	sst s0  }
0x9: {  	[smem:$0x3FAA] =	sst s1  }
0xa: {  	[smem:$0x3FAB] =	sst s2  }
0xb: {  	[smem:$0x3FAC] =	sst s3  }
0xc: {  	[smem:$0x3FAD] =	sst s4  }
0xd: {  	[smem:$0x3FAE] =	sst s5  }
0xe: {  	[smem:$0x3FAF] =	sst s6  }
0xf: {  	[smem:$0x3FB0] =	sst s7  }
0x10: {  	[smem:$0x3FB1] =	sst s8  }
0x11: {  	[smem:$0x3FB2] =	sst s9;
	s0 =	simm.s32 @!p0 $0x0  }
0x12: {  	s1 =	sld [smem:$0x3F98];
	s0 =	simm.s32 @p0 $0x1  }
0x13: {  	[smem:$0x3FB3] =	sst s0;
	s0 =	simm.s32 @!p1 $0x0  }
0x14: {  	s2 =	sld [smem:$0x3F97];
	s0 =	simm.s32 @p1 $0x1  }
0x15: {  	[smem:$0x3FB4] =	sst s0;
	s0 =	simm.s32 @!p2 $0x0  }
0x16: {  	s3 =	sld [smem:$0x3FDB];
	s0 =	simm.s32 @p2 $0x1  }
0x17: {  	s4 =	simm.s32 $0x1BF5;
	[smem:$0x3FB6] =	sst s0  }
0x18: {  	s0 =	sld [smem:$0x3F99];
	_ =	swait.ge [sflag:s4], $0x0  }
0x19: {  	s7 =	sld [smem:$0x3F9A]  }
0x1a: {  	s8 =	sadd.s32 $0xFFFFE003, lr  }
0x1b: {  	s9 =	sadd.s32 $0xFFFFFEF7, lr;
	s5 =	simm.s32 $0xFFFFFFFF;
	p2 =	slt.u32 s8, $0xFFFFF086  }
0x1c: {  	p1 =	slt.u32 s9, $0xF7A;
	s5 =	simm.s32 @!p2 $0x0  }
0x1d: {  	s5 =	simm.s32 @p1 $0x1;
	p0 =	seq.s32 s7, s2  }
0x1e: {  	s7 =	smul.u32 @!p0 $0xF7A, s2;
	p2 =	seq.s32 @!p0 s5, $0x0  }
0x1f: {  	s9 =	smul.u32 $0xF7A, s1;
	s8 =	simm.s32 @!p0 $0x1BF5;
	p2 =	por !p2, p0  }
0x20: {  	[sflag:s8] =	ssyncset.s32 @!p0 $0xFFFFF086;
	s6 =	sadd.s32 @!p0 s3, s7;
	s7 =	simm.s32 @!p0 $0x108  }
0x21: {  	s3 =	sadd.s32 s3, s9;
	s6 =	sadd.s32 @!p0 $0x88, s6;
	s7 =	simm.s32 @p2 $0x1082  }
0x22: {  	[simem:s7], [sflag:s8] =	dma.local @!p0 [hbm:s6], $0xF7A  }
0x23: {  	s9 =	sor.u32 $0xD0000000, s2;
	s6 =	simm.s32 $0x108;
	_ =	swait.ge @!p0 [sflag:s8], $0x0  }
0x24: {  	s3 =	sadd.s32 $0x88, s3;
	s6 =	simm.s32 @!p1 $0x1082;
	[sflag:s4] =	ssyncset.s32 $0xFFFFF086  }
0x25: {  	[simem:s6], [sflag:s4] =	dma.local [hbm:s3], $0xF7A  }
0x26: {  	[smem:$0x3F9A] =	sst s1;
	(tag) =	ssettag s2;
	_ =	strace s9  }
0x27: {  	s1 =	sld [smem:$0x3FAA]  }
0x28: {  	s2 =	sld [smem:$0x3FAB]  }
0x29: {  	s4 =	sld [smem:$0x3FAD]  }
0x2a: {  	p0 =	seq.s32 s5, $0x0;
	s5 =	sld [smem:$0x3FAE]  }
0x2b: {  	s6 =	sld [smem:$0x3FAF]  }
0x2c: {  	s7 =	sld [smem:$0x3FB0]  }
0x2d: {  	s3 =	simm.s32 $0x108;
	s8 =	sld [smem:$0x3FB1]  }
0x2e: {  	s3 =	simm.s32 @!p0 $0x1082;
	s9 =	sld [smem:$0x3FB2]  }
0x2f: {  	lr =	sadd.s32 s0, s3;
	s0 =	sld [smem:$0x3FA9]  }
0x30: {  	s3 =	sld [smem:$0x3FAC]  }
0x31: {  	[smem:$0x3FB5] =	sst s10  }
0x32: {  	s10 =	sld [smem:$0x3FB3];
	_ =	sdelay $0x3  }
0x33: {  	p0 =	seq.s32 s10, $0x1;
	s10 =	sld [smem:$0x3FB5];
	_ =	sdelay $0x3  }
0x34: {  	[smem:$0x3FB5] =	sst s10  }
0x35: {  	s10 =	sld [smem:$0x3FB4];
	_ =	sdelay $0x3  }
0x36: {  	p1 =	seq.s32 s10, $0x1;
	s10 =	sld [smem:$0x3FB5];
	_ =	sdelay $0x3  }
0x37: {  	[smem:$0x3FB5] =	sst s10  }
0x38: {  	s10 =	sld [smem:$0x3FB6]  }
0x39: {  	_ = 	snop;
	(pc) =	sbr.ind lr, $3  }
0x3a: {  	_ = 	snop  }
0x3b: {  	_ = 	snop  }
0x3c: {  	p2 =	seq.s32 s10, $0x1;
	s10 =	sld [smem:$0x3FB5]  }
0x3d: {  	_ =	shalt  }
0x3e: {  	_ =	shalt  }
0x3f: {  	_ =	shalt  }
0x40: {  	_ =	shalt  }
0x41: {  	_ =	shalt  }
0x42: {  	_ =	shalt  }
0x43: {  	_ =	shalt  }
0x44: {  	_ =	shalt  }
0x45: {  	_ =	shalt  }
0x46: {  	_ =	shalt  }
0x47: {  	_ =	shalt  }
0x48: {  	_ =	shalt  }
0x49: {  	_ =	shalt  }
0x4a: {  	_ =	shalt  }
0x4b: {  	_ =	shalt  }
0x4c: {  	_ =	shalt  }
0x4d: {  	_ =	shalt  }
0x4e: {  	_ =	shalt  }
0x4f: {  	_ =	shalt  }
0x50: {  	_ =	shalt  }
0x51: {  	_ =	shalt  }
0x52: {  	_ =	shalt  }
0x53: {  	_ =	shalt  }
0x54: {  	_ =	shalt  }
0x55: {  	_ =	shalt  }
0x56: {  	_ =	shalt  }
0x57: {  	_ =	shalt  }
0x58: {  	_ =	shalt  }
0x59: {  	_ =	shalt  }
0x5a: {  	_ =	shalt  }
0x5b: {  	_ =	shalt  }
0x5c: {  	_ =	shalt  }
0x5d: {  	_ =	shalt  }
0x5e: {  	_ =	shalt  }
0x5f: {  	_ =	shalt  }
0x60: {  	_ =	shalt  }
0x61: {  	_ =	shalt  }
0x62: {  	_ =	shalt  }
0x63: {  	_ =	shalt  }
0x64: {  	_ =	shalt  }
0x65: {  	_ =	shalt  }
0x66: {  	_ =	shalt  }
0x67: {  	_ =	shalt  }
0x68: {  	_ =	shalt  }
0x69: {  	_ =	shalt  }
0x6a: {  	_ =	shalt  }
0x6b: {  	_ =	shalt  }
0x6c: {  	_ =	shalt  }
0x6d: {  	_ =	shalt  }
0x6e: {  	_ =	shalt  }
0x6f: {  	_ =	shalt  }
0x70: {  	_ =	shalt  }
0x71: {  	_ =	shalt  }
0x72: {  	_ =	shalt  }
0x73: {  	_ =	shalt  }
0x74: {  	_ =	shalt  }
0x75: {  	_ =	shalt  }
0x76: {  	_ =	shalt  }
0x77: {  	_ =	shalt  }
0x78: {  	_ =	shalt  }
0x79: {  	_ =	shalt  }
0x7a: {  	_ =	shalt  }
0x7b: {  	_ =	shalt  }
0x7c: {  	_ =	shalt  }
0x7d: {  	_ =	shalt  }
0x7e: {  	_ =	shalt  }
0x7f: {  	_ =	shalt  }
0x80: {  	_ =	shalt  }
0x81: {  	_ =	shalt  }
0x82: {  	_ =	shalt  }
0x83: {  	_ =	shalt  }
0x84: {  	_ =	shalt  }
0x85: {  	_ =	shalt  }
0x86: {  	_ =	shalt  }
0x87: {  	_ =	shalt  }
.Lfunc_end0:
.L_simem_size_0:
called_computation_lowered:
.L_overlay_start_0:
0x88: {  	s2 =	sld [smem:$0x3FD9]  }
0x89: {  	s3 =	sld [smem:$0x3FFE];
	_ =	sdelay $0x1  }
0x8a: {  	s1 =	srdreg.scid  }
0x8b: {  	s0 =	sand.u32 $0x1, s1  }
0x8c: {  	s17 =	sshll.u32 s0, $0xA;
	s2 =	sadd.s32 s3, s2  }
0x8d: {  	s2 =	sadd.s32 s2, s17  }
0x8e: {  	[smem:$0x3FC1] =	sst s2  }
0x8f: {  	_ = 	snop  }
0x90: {  	s2 =	sld [smem:$0x3FC9];
	(tm) =	ssettm $0x1  }
0x91: {  	s18 =	sld [smem:$0x3FFB];
	_ =	sdelay $0x3  }
0x92: {  	_ =	strace s18  }
0x93: {  	s3 =	sld [smem:$0x3FFC];
	_ =	sdelay $0x3  }
0x94: {  	_ =	strace s3  }
0x95: {  	s3 =	sld [smem:$0x3FFD];
	_ =	sdelay $0x3  }
0x96: {  	_ =	strace s3  }
0x97: {  	_ =	strace $0x8FFFFFFF  }
0x98: {  	s19 =	sld [smem:$0x3FDB];
	_ =	sdelay $0x1  }
0x99: {  	s4 =	simm.s32 $_scs_section_size  }
0x9a: {  	s5 =	simm.s32 $_size__tile_overlayer_lowered;
	s6 =	simm.s32 $_tile_overlayer_lowered  }
0x9b: {  	s22 =	simm.s32 $0x1BFF;
	s21 =	sshll.u32 s6, $0x1;
	s3 =	sadd.s32 s4, s19  }
0x9c: {  	s7 =	simm.s32 $0x0;
	s20 =	sshll.u32 s5, $0x1;
	s5 =	sadd.s32 s21, s3  }
0x9d: {  	[timem:s7], [sflag:s22] =	dma.local [hbm:s5], s20  }
0x9e: {  	_ =	swait.ge [sflag:s22], s20  }
0x9f: {  	s4 =	ssub.s32 $0x0, s20;
	[sflag:s22] =	ssyncset.done $0x0  }
0xa0: {  	[sflag:s22] =	ssyncadd.s32 s4;
	_ =	sdelay $0x1  }
0xa1: {  	s23 =	simm.s32 $0x1B8B  }
0xa2: {  	_ =	swait.ge [sflag:s23], $0x1  }
0xa3: {  	[sflag:s23] =	ssyncset.done $0x0  }
0xa4: {  	s25 =	simm.s32 $0x1B8E;
	s24 =	sld [smem:$0x3FFE];
	[sflag:s23] =	ssyncadd.s32 $0xFFFFFFFF  }
0xa5: {  	s26 =	simm.s32 $execute0_lowered;
	[smem:$0x3FD2] =	sst s25  }
0xa6: {  	s5 =	sshll.u32 s26, $0x1;
	_ =	strace $0x80000046;
	[dreg:$0x1] =	wrdreg $0xFFFFFFFF  }
0xa7: {  	s28 =	simm.s32 $_size_execute0_lowered;
	s3 =	sadd.s32 s3, s5;
	[dreg:$0x0] =	wrdreg $0x0  }
0xa8: {  	s5 =	sshll.u32 s28, $0x1;
	[dreg:$0x2] =	wrdreg s3  }
0xa9: {  	[dreg:$0x3] =	wrdreg s5  }
0xaa: {  	[dreg:$0x4] =	wrdreg $0xC0  }
0xab: {  	_ =	task [dreg:s7], $0x5FFFF  }
0xac: {  	[dreg:$0x1] =	wrdreg $0xFFFFFFFF  }
0xad: {  	[dreg:$0x0] =	wrdreg $0x60  }
0xae: {  	[dreg:$0x2] =	wrdreg s2  }
0xaf: {  	[dreg:$0x3] =	wrdreg s24  }
0xb0: {  	[dreg:$0x4] =	wrdreg $0x9  }
0xb1: {  	_ =	task.clear_ibuf [dreg:s7], $0x5FFFF;
	_ =	strace $0x90000046  }
0xb2: {  	s29 =	simm.s32 $0x9;
	_ =	strace $0x80000048  }
0xb3: {  	_ =	swait.ge [sflag:s29], $0x1  }
0xb4: {  	[sflag:s29] =	ssyncadd.s32 $0xFFFFFFFF  }
0xb5: {  	_ =	strace $0x90000048  }
0xb6: {  	_ =	sfence  }
0xb7: {  	s30 =	sld [smem:$0x0];
	_ =	sdelay $0x2  }
0xb8: {  	s31 =	sshll.u32 s1, $0xD;
	s1 =	sshrl.u32 s1, $0x2  }
0xb9: {  	s3 =	sand.u32 $0x4000, s31;
	s1 =	sadd.s32 s1, s30  }
0xba: {  	s0 =	sor.u32 s3, s0;
	s1 =	sshll.u32 s1, $0x11  }
0xbb: {  	s0 =	sor.u32 s1, s0  }
0xbc: {  	s0 =	sadd.s32 $0x8F2B, s0  }
0xbd: {  	[sflag:s0] =	ssyncadd.remote.s32 $0x1  }
0xbe: {  	_ =	sfence.sel $0xFFFF  }
0xbf: {  	[dreg:$0x0] =	wrdreg $0xFFFFFFFF;
	(pc) =	sbr.abs _section_cstart, $3  }
0xc0: {  	[dreg:$0x1] =	wrdreg $0xFFFFFFFF  }
0xc1: {  	_ =	task.clear_ibuf [dreg:s7], $0x2FFFF;
	_ =	strace $0x9FFFFFFF  }
0xc2: {  	(tm) =	ssettm $0x7FFFFFFF  }
0xc3: {  	_ =	shalt  }
tec
execute0_lowered:
.L_overlay_start_1:
0x0: {  	(tag) =	ssettag $0x1  }
0x1: {  	s0 =	rddreg [dreg:$0x0]  }
0x2: {  	s1 =	rddreg [dreg:$0x1];
	s2 =	srdreg.scid  }
0x3: {  	s3 =	stileid.u32;
	s26 =	simm.s32 $0x80;
	s9 =	simm.s32 $0x2  }
0x4: {  	s12 =	simm.s32 $0x1900;
	s13 =	simm.s32 $0x2100;
	s14 =	simm.s32 $0x2900  }
0x5: {  	s15 =	simm.s32 $0x3100;
	s16 =	simm.s32 $0x3900;
	s17 =	simm.s32 $0x4100  }
0x6: {  	s18 =	simm.s32 $0x4900;
	s19 =	simm.s32 $0x5100;
	s20 =	simm.s32 $0x5900  }
0x7: {  	s21 =	simm.s32 $0x6100;
	s22 =	simm.s32 $0x6900;
	s23 =	simm.s32 $0x7100  }
0x8: {  	s24 =	simm.s32 $0x7900;
	s28 =	simm.s32 $0x9100;
	s29 =	simm.s32 $0x9900  }
0x9: {  	s30 =	simm.s32 $0xA100;
	s31 =	simm.s32 $0xA900;
	s4 =	sand.u32 $0x1, s2  }
0xa: {  	s2 =	simm.s32 $0x0;
	s3 =	sshll.u32 s3, $0x4;
	s5 =	sshll.u32 s4, $0x3  }
0xb: {  	[smem:$0x7FF] =	sst s2;
	s4 =	ssub.s32 $0x2, s4;
	s5 =	sor.u32 s5, s3  }
0xc: {  	_ =	strace $0x80000047;
	s3 =	sadd.s32 $0x1800, s1;
	s8 =	sshrl.u32 s4, $0x1  }
0xd: {  	[dreg:$0x6] =	wrdreg s26;
	s26 =	simm.s32 $0x8900;
	s6 =	sadd.s32 s5, s1  }
0xe: {  	s5 =	smul.u32 $0x300, s5;
	s25 =	ssub.s32 s4, s8;
	s7 =	sadd.s32 $0x1400, s6  }
0xf: {  	s4 =	sadd.s32 $0x1900, s1;
	s6 =	sadd.s32 $0x1600, s6;
	[dreg:$0x3] =	wrdreg s7  }
0x10: {  	v2 =	vlaneseq.u32;
	s8 =	simm.s32 $0xB900;
	[dreg:$0x4] =	wrdreg s6;
	s0 =	sadd.s32 s0, s5  }
0x11: {  	vm0 =	vmmov $0xffff;
	v1 =	vshrl.u32 v2, $0x3;
	s5 =	sadd.s32 $0x1A00, s1;
	s6 =	smax.u32 s25, $0x1;
	s7 =	simm.s32 $0x3  }
0x12: {  	v0 =	vand.u32 $0x7, v2;
	v2 =	vor.u32 $0x8, v2;
	v1 =	vmul.u32 $0x8, v1;
	s1 =	simm.s32 $0x100;
	s25 =	simm.s32 $0x8100;
	[dreg:$0x5] =	wrdreg s0  }
.LBB2_1:
0x13: {  	s10 =	rddreg [dreg:$0x3]  }
0x14: {  	[tilespmem:s2], [sflag:$0x3] =	stream.linear.gather [hbm4b:s10+s2], $0x40, $0x38;
	[tilespmem:$0xC100] =	vst v63  }
0x15: {  	_ =	swait.ge [sflag:s7], $0x40  }
0x16: {  	s0 =	rddreg [dreg:$0x4];
	[sflag:s7] =	ssyncset.done $0x0  }
0x17: {  	s11 =	rddreg [dreg:$0x6];
	[sflag:s7] =	ssyncadd.s32 $0xFFFFFFC0  }
0x18: {  	[tilespmem:s11], [sflag:$0x3] =	stream.linear.gather [hbm4b:s0+s2], $0x40, $0x38;
	[tilespmem:$0xC100] =	vst v63  }
0x19: {  	_ =	swait.ge [sflag:s7], $0x40  }
0x1a: {  	[sflag:s7] =	ssyncset.done $0x0  }
0x1b: {  	s0 =	rddreg [dreg:$0x5];
	[sflag:s7] =	ssyncadd.s32 $0xFFFFFFC0  }
0x1c: {  	[tilespmem:s1], [sflag:$0x3] =	stream.linear.gather [hbm4b:s0+s2], $0xC000, $0x38;
	[tilespmem:$0xC100] =	vst v63  }
0x1d: {  	_ =	swait.ge [sflag:s7], $0xC000  }
0x1e: {  	[sflag:s7] =	ssyncset.done $0x0  }
0x1f: {  	[sflag:s7] =	ssyncadd.s32 $0xFFFF4000  }
0x20: {  	v3 =	vld [tilespmem:$0x0];
	_ =	sdelay $0x4  }
0x21: {  	v4 =	vshrl.u32 v3, $0x3  }
0x22: {  	v4 =	vmul.u32 $0x30, v4  }
0x23: {  	v3 =	vand.u32 $0x7, v3  }
0x24: {  	v3 =	vor.u32 v3, v4  }
0x25: {  	v4 =	vperm.xlane v3, v0;
	_ =	sdelay $0x1  }
0x26: {  	v4 =	vadd.s32 v1, v4;
	_ =	sdelay $0x3  }
0x27: {  	v3 =	vperm.xlane v3, v2  }
0x28: {  	[hbm4b:s3+s2] =	stream.indirect_vreg.scatter [tilespmem:s1], [sflag:$0x1], $0x80, v4, vm0, $0xb8;
	[tilespmem:$0xC100] =	vst v63  }
0x29: {  	s10 =	simm.s32 $0x900;
	v3 =	vadd.s32 v1, v3  }
0x2a: {  	[hbm4b:s4+s2] =	stream.indirect_vreg.scatter [tilespmem:s10], [sflag:$0x1], $0x80, v4, vm0, $0xb8;
	[tilespmem:$0xC100] =	vst v63  }
0x2b: {  	s11 =	simm.s32 $0x1100  }
0x2c: {  	[hbm4b:s5+s2] =	stream.indirect_vreg.scatter [tilespmem:s11], [sflag:$0x1], $0x80, v4, vm0, $0xb8;
	[tilespmem:$0xC100] =	vst v63  }
0x2d: {  	_ = 	snop  }
0x2e: {  	[hbm4b:s3+s2] =	stream.indirect_vreg.scatter [tilespmem:s12], [sflag:$0x1], $0x80, v3, vm0, $0xb8;
	[tilespmem:$0xC100] =	vst v63  }
0x2f: {  	_ = 	snop  }
0x30: {  	[hbm4b:s4+s2] =	stream.indirect_vreg.scatter [tilespmem:s13], [sflag:$0x1], $0x80, v3, vm0, $0xb8;
	[tilespmem:$0xC100] =	vst v63  }
0x31: {  	_ = 	snop  }
0x32: {  	[hbm4b:s5+s2] =	stream.indirect_vreg.scatter [tilespmem:s14], [sflag:$0x1], $0x80, v3, vm0, $0xb8;
	[tilespmem:$0xC100] =	vst v63  }
0x33: {  	v3 =	vld [tilespmem:$0x10];
	_ =	sdelay $0x4  }
0x34: {  	v57 =	vshrl.u32 v3, $0x3  }
0x35: {  	v4 =	vmul.u32 $0x30, v57  }
0x36: {  	v3 =	vand.u32 $0x7, v3  }
0x37: {  	v3 =	vor.u32 v3, v4  }
0x38: {  	v4 =	vperm.xlane v3, v0;
	_ =	sdelay $0x1  }
0x39: {  	v4 =	vadd.s32 v1, v4;
	_ =	sdelay $0x3  }
0x3a: {  	v3 =	vperm.xlane v3, v2  }
0x3b: {  	[hbm4b:s3+s2] =	stream.indirect_vreg.scatter [tilespmem:s15], [sflag:$0x1], $0x80, v4, vm0, $0xb8;
	[tilespmem:$0xC100] =	vst v63  }
0x3c: {  	v3 =	vadd.s32 v1, v3  }
0x3d: {  	[hbm4b:s4+s2] =	stream.indirect_vreg.scatter [tilespmem:s16], [sflag:$0x1], $0x80, v4, vm0, $0xb8;
	[tilespmem:$0xC100] =	vst v63  }
0x3e: {  	_ = 	snop  }
0x3f: {  	[hbm4b:s5+s2] =	stream.indirect_vreg.scatter [tilespmem:s17], [sflag:$0x1], $0x80, v4, vm0, $0xb8;
	[tilespmem:$0xC100] =	vst v63  }
0x40: {  	_ = 	snop  }
0x41: {  	[hbm4b:s3+s2] =	stream.indirect_vreg.scatter [tilespmem:s18], [sflag:$0x1], $0x80, v3, vm0, $0xb8;
	[tilespmem:$0xC100] =	vst v63  }
0x42: {  	_ = 	snop  }
0x43: {  	[hbm4b:s4+s2] =	stream.indirect_vreg.scatter [tilespmem:s19], [sflag:$0x1], $0x80, v3, vm0, $0xb8;
	[tilespmem:$0xC100] =	vst v63  }
0x44: {  	_ = 	snop  }
0x45: {  	[hbm4b:s5+s2] =	stream.indirect_vreg.scatter [tilespmem:s20], [sflag:$0x1], $0x80, v3, vm0, $0xb8;
	[tilespmem:$0xC100] =	vst v63  }
0x46: {  	v3 =	vld [tilespmem:$0x20];
	_ =	sdelay $0x4  }
0x47: {  	v58 =	vshrl.u32 v3, $0x3  }
0x48: {  	v4 =	vmul.u32 $0x30, v58  }
0x49: {  	v3 =	vand.u32 $0x7, v3  }
0x4a: {  	v3 =	vor.u32 v3, v4  }
0x4b: {  	v4 =	vperm.xlane v3, v0;
	_ =	sdelay $0x1  }
0x4c: {  	v4 =	vadd.s32 v1, v4;
	_ =	sdelay $0x3  }
0x4d: {  	v3 =	vperm.xlane v3, v2  }
0x4e: {  	[hbm4b:s3+s2] =	stream.indirect_vreg.scatter [tilespmem:s21], [sflag:$0x1], $0x80, v4, vm0, $0xb8;
	[tilespmem:$0xC100] =	vst v63  }
0x4f: {  	v3 =	vadd.s32 v1, v3  }
0x50: {  	[hbm4b:s4+s2] =	stream.indirect_vreg.scatter [tilespmem:s22], [sflag:$0x1], $0x80, v4, vm0, $0xb8;
	[tilespmem:$0xC100] =	vst v63  }
0x51: {  	_ = 	snop  }
0x52: {  	[hbm4b:s5+s2] =	stream.indirect_vreg.scatter [tilespmem:s23], [sflag:$0x1], $0x80, v4, vm0, $0xb8;
	[tilespmem:$0xC100] =	vst v63  }
0x53: {  	_ = 	snop  }
0x54: {  	[hbm4b:s3+s2] =	stream.indirect_vreg.scatter [tilespmem:s24], [sflag:$0x1], $0x80, v3, vm0, $0xb8;
	[tilespmem:$0xC100] =	vst v63  }
0x55: {  	_ = 	snop  }
0x56: {  	[hbm4b:s4+s2] =	stream.indirect_vreg.scatter [tilespmem:s25], [sflag:$0x1], $0x80, v3, vm0, $0xb8;
	[tilespmem:$0xC100] =	vst v63  }
0x57: {  	_ = 	snop  }
0x58: {  	[hbm4b:s5+s2] =	stream.indirect_vreg.scatter [tilespmem:s26], [sflag:$0x1], $0x80, v3, vm0, $0xb8;
	[tilespmem:$0xC100] =	vst v63  }
0x59: {  	v3 =	vld [tilespmem:$0x30];
	_ =	sdelay $0x4  }
0x5a: {  	v59 =	vshrl.u32 v3, $0x3  }
0x5b: {  	v4 =	vmul.u32 $0x30, v59  }
0x5c: {  	v3 =	vand.u32 $0x7, v3  }
0x5d: {  	v3 =	vor.u32 v3, v4  }
0x5e: {  	v4 =	vperm.xlane v3, v0;
	_ =	sdelay $0x1  }
0x5f: {  	v4 =	vadd.s32 v1, v4;
	_ =	sdelay $0x3  }
0x60: {  	v3 =	vperm.xlane v3, v2  }
0x61: {  	[hbm4b:s3+s2] =	stream.indirect_vreg.scatter [tilespmem:s28], [sflag:$0x1], $0x80, v4, vm0, $0xb8;
	[tilespmem:$0xC100] =	vst v63  }
0x62: {  	v3 =	vadd.s32 v1, v3  }
0x63: {  	[hbm4b:s4+s2] =	stream.indirect_vreg.scatter [tilespmem:s29], [sflag:$0x1], $0x80, v4, vm0, $0xb8;
	[tilespmem:$0xC100] =	vst v63  }
0x64: {  	_ = 	snop  }
0x65: {  	[hbm4b:s5+s2] =	stream.indirect_vreg.scatter [tilespmem:s30], [sflag:$0x1], $0x80, v4, vm0, $0xb8;
	[tilespmem:$0xC100] =	vst v63  }
0x66: {  	_ = 	snop  }
0x67: {  	[hbm4b:s3+s2] =	stream.indirect_vreg.scatter [tilespmem:s31], [sflag:$0x1], $0x80, v3, vm0, $0xb8;
	[tilespmem:$0xC100] =	vst v63  }
0x68: {  	s0 =	simm.s32 $0xB100  }
0x69: {  	[hbm4b:s4+s2] =	stream.indirect_vreg.scatter [tilespmem:s0], [sflag:$0x1], $0x80, v3, vm0, $0xb8;
	[tilespmem:$0xC100] =	vst v63  }
0x6a: {  	_ = 	snop  }
0x6b: {  	[hbm4b:s5+s2] =	stream.indirect_vreg.scatter [tilespmem:s8], [sflag:$0x1], $0x80, v3, vm0, $0xb8;
	[tilespmem:$0xC100] =	vst v63  }
0x6c: {  	v3 =	vld [tilespmem:$0x80];
	_ =	sdelay $0x4  }
0x6d: {  	v60 =	vshrl.u32 v3, $0x3  }
0x6e: {  	v4 =	vmul.u32 $0x30, v60  }
0x6f: {  	v3 =	vand.u32 $0x7, v3  }
0x70: {  	v3 =	vor.u32 v3, v4  }
0x71: {  	v4 =	vperm.xlane v3, v0;
	_ =	sdelay $0x1  }
0x72: {  	v4 =	vadd.s32 v1, v4;
	_ =	sdelay $0x3  }
0x73: {  	v3 =	vperm.xlane v3, v2  }
0x74: {  	[hbm4b:s3+s2] =	stream.indirect_vreg.scatter [tilespmem:s1], [sflag:$0x2], $0x80, v4, vm0, $0xb8;
	[tilespmem:$0xC100] =	vst v63  }
0x75: {  	v3 =	vadd.s32 v1, v3  }
0x76: {  	[hbm4b:s4+s2] =	stream.indirect_vreg.scatter [tilespmem:s10], [sflag:$0x2], $0x80, v4, vm0, $0xb8;
	[tilespmem:$0xC100] =	vst v63  }
0x77: {  	_ = 	snop  }
0x78: {  	[hbm4b:s5+s2] =	stream.indirect_vreg.scatter [tilespmem:s11], [sflag:$0x2], $0x80, v4, vm0, $0xb8;
	[tilespmem:$0xC100] =	vst v63  }
0x79: {  	_ = 	snop  }
0x7a: {  	[hbm4b:s3+s2] =	stream.indirect_vreg.scatter [tilespmem:s12], [sflag:$0x2], $0x80, v3, vm0, $0xb8;
	[tilespmem:$0xC100] =	vst v63  }
0x7b: {  	_ = 	snop  }
0x7c: {  	[hbm4b:s4+s2] =	stream.indirect_vreg.scatter [tilespmem:s13], [sflag:$0x2], $0x80, v3, vm0, $0xb8;
	[tilespmem:$0xC100] =	vst v63  }
0x7d: {  	_ = 	snop  }
0x7e: {  	[hbm4b:s5+s2] =	stream.indirect_vreg.scatter [tilespmem:s14], [sflag:$0x2], $0x80, v3, vm0, $0xb8;
	[tilespmem:$0xC100] =	vst v63  }
0x7f: {  	v3 =	vld [tilespmem:$0x90];
	_ =	sdelay $0x4  }
0x80: {  	v61 =	vshrl.u32 v3, $0x3  }
0x81: {  	v4 =	vmul.u32 $0x30, v61  }
0x82: {  	v3 =	vand.u32 $0x7, v3  }
0x83: {  	v3 =	vor.u32 v3, v4  }
0x84: {  	v4 =	vperm.xlane v3, v0;
	_ =	sdelay $0x1  }
0x85: {  	v4 =	vadd.s32 v1, v4;
	_ =	sdelay $0x3  }
0x86: {  	v3 =	vperm.xlane v3, v2  }
0x87: {  	[hbm4b:s3+s2] =	stream.indirect_vreg.scatter [tilespmem:s15], [sflag:$0x2], $0x80, v4, vm0, $0xb8;
	[tilespmem:$0xC100] =	vst v63  }
0x88: {  	v3 =	vadd.s32 v1, v3  }
0x89: {  	[hbm4b:s4+s2] =	stream.indirect_vreg.scatter [tilespmem:s16], [sflag:$0x2], $0x80, v4, vm0, $0xb8;
	[tilespmem:$0xC100] =	vst v63  }
0x8a: {  	_ = 	snop  }
0x8b: {  	[hbm4b:s5+s2] =	stream.indirect_vreg.scatter [tilespmem:s17], [sflag:$0x2], $0x80, v4, vm0, $0xb8;
	[tilespmem:$0xC100] =	vst v63  }
0x8c: {  	_ = 	snop  }
0x8d: {  	[hbm4b:s3+s2] =	stream.indirect_vreg.scatter [tilespmem:s18], [sflag:$0x2], $0x80, v3, vm0, $0xb8;
	[tilespmem:$0xC100] =	vst v63  }
0x8e: {  	_ = 	snop  }
0x8f: {  	[hbm4b:s4+s2] =	stream.indirect_vreg.scatter [tilespmem:s19], [sflag:$0x2], $0x80, v3, vm0, $0xb8;
	[tilespmem:$0xC100] =	vst v63  }
0x90: {  	_ = 	snop  }
0x91: {  	[hbm4b:s5+s2] =	stream.indirect_vreg.scatter [tilespmem:s20], [sflag:$0x2], $0x80, v3, vm0, $0xb8;
	[tilespmem:$0xC100] =	vst v63  }
0x92: {  	v3 =	vld [tilespmem:$0xA0];
	_ =	sdelay $0x4  }
0x93: {  	v62 =	vshrl.u32 v3, $0x3  }
0x94: {  	v4 =	vmul.u32 $0x30, v62  }
0x95: {  	v3 =	vand.u32 $0x7, v3  }
0x96: {  	v3 =	vor.u32 v3, v4  }
0x97: {  	v4 =	vperm.xlane v3, v0;
	_ =	sdelay $0x1  }
0x98: {  	v4 =	vadd.s32 v1, v4;
	_ =	sdelay $0x3  }
0x99: {  	v3 =	vperm.xlane v3, v2  }
0x9a: {  	[hbm4b:s3+s2] =	stream.indirect_vreg.scatter [tilespmem:s21], [sflag:$0x2], $0x80, v4, vm0, $0xb8;
	[tilespmem:$0xC100] =	vst v63  }
0x9b: {  	v3 =	vadd.s32 v1, v3  }
0x9c: {  	[hbm4b:s4+s2] =	stream.indirect_vreg.scatter [tilespmem:s22], [sflag:$0x2], $0x80, v4, vm0, $0xb8;
	[tilespmem:$0xC100] =	vst v63  }
0x9d: {  	_ = 	snop  }
0x9e: {  	[hbm4b:s5+s2] =	stream.indirect_vreg.scatter [tilespmem:s23], [sflag:$0x2], $0x80, v4, vm0, $0xb8;
	[tilespmem:$0xC100] =	vst v63  }
0x9f: {  	_ = 	snop  }
0xa0: {  	[hbm4b:s3+s2] =	stream.indirect_vreg.scatter [tilespmem:s24], [sflag:$0x2], $0x80, v3, vm0, $0xb8;
	[tilespmem:$0xC100] =	vst v63  }
0xa1: {  	_ = 	snop  }
0xa2: {  	[hbm4b:s4+s2] =	stream.indirect_vreg.scatter [tilespmem:s25], [sflag:$0x2], $0x80, v3, vm0, $0xb8;
	[tilespmem:$0xC100] =	vst v63  }
0xa3: {  	_ = 	snop  }
0xa4: {  	[hbm4b:s5+s2] =	stream.indirect_vreg.scatter [tilespmem:s26], [sflag:$0x2], $0x80, v3, vm0, $0xb8;
	[tilespmem:$0xC100] =	vst v63  }
0xa5: {  	v3 =	vld [tilespmem:$0xB0];
	_ =	sdelay $0x4  }
0xa6: {  	v63 =	vshrl.u32 v3, $0x3  }
0xa7: {  	v4 =	vmul.u32 $0x30, v63  }
0xa8: {  	v3 =	vand.u32 $0x7, v3  }
0xa9: {  	v3 =	vor.u32 v3, v4  }
0xaa: {  	v4 =	vperm.xlane v3, v0;
	_ =	sdelay $0x1  }
0xab: {  	v4 =	vadd.s32 v1, v4;
	_ =	sdelay $0x3  }
0xac: {  	v3 =	vperm.xlane v3, v2  }
0xad: {  	[hbm4b:s3+s2] =	stream.indirect_vreg.scatter [tilespmem:s28], [sflag:$0x2], $0x80, v4, vm0, $0xb8;
	[tilespmem:$0xC100] =	vst v63  }
0xae: {  	v3 =	vadd.s32 v1, v3  }
0xaf: {  	[hbm4b:s4+s2] =	stream.indirect_vreg.scatter [tilespmem:s29], [sflag:$0x2], $0x80, v4, vm0, $0xb8;
	[tilespmem:$0xC100] =	vst v63  }
0xb0: {  	_ = 	snop  }
0xb1: {  	[hbm4b:s5+s2] =	stream.indirect_vreg.scatter [tilespmem:s30], [sflag:$0x2], $0x80, v4, vm0, $0xb8;
	[tilespmem:$0xC100] =	vst v63  }
0xb2: {  	_ = 	snop  }
0xb3: {  	[hbm4b:s3+s2] =	stream.indirect_vreg.scatter [tilespmem:s31], [sflag:$0x2], $0x80, v3, vm0, $0xb8;
	[tilespmem:$0xC100] =	vst v63  }
0xb4: {  	_ = 	snop  }
0xb5: {  	[hbm4b:s4+s2] =	stream.indirect_vreg.scatter [tilespmem:s0], [sflag:$0x2], $0x80, v3, vm0, $0xb8;
	[tilespmem:$0xC100] =	vst v63  }
0xb6: {  	s11 =	simm.s32 $0x1  }
0xb7: {  	[hbm4b:s5+s2] =	stream.indirect_vreg.scatter [tilespmem:s8], [sflag:$0x2], $0x80, v3, vm0, $0xb8;
	[tilespmem:$0xC100] =	vst v63  }
0xb8: {  	p0 =	sne.s32 s6, $0x1;
	_ =	swait.ge [sflag:s11], $0xC000  }
.Ltmp0:
0xb9: {  	[sflag:s11] =	ssyncset.done $0x0;
	(pc) =	sbr.rel @p0 .LBB2_1-.Ltmp0, $4  }
0xba: {  	[sflag:s11] =	ssyncadd.s32 $0xFFFF4000  }
0xbb: {  	_ =	swait.ge [sflag:s9], $0xC000  }
0xbc: {  	[sflag:s9] =	ssyncset.done $0x0  }
0xbd: {  	s6 =	sadd.s32 $0xFFFFFFFF, s6;
	[sflag:s9] =	ssyncadd.s32 $0xFFFF4000  }
0xbe: {  	_ =	sfence.sel $0x180000  }
0xbf: {  	[bflag:$0x0] =	sbarrier.arrive $0xFFFF  }
0xc0: {  	_ =	strace $0x90000047  }
0xc1: {  	s0 =	stileid.u32;
	[bflag:$0x2] =	sbarrier.arrive $0xFFFF  }
0xc2: {  	p0 =	sne.s32 s0, $0x0;
	s0 =	rddreg [dreg:$0x2]  }
0xc3: {  	s0 =	sadd.s32 @!p0 $0x100000, s0  }
0xc4: {  	[sflag:s0] =	ssyncadd.tile.s32 @!p0 $0x1;
	_ =	shalt  }
.Lfunc_end2:
_tile_overlayer_lowered:
.L_overlay_start_2:
0xc5: {  	(tag) =	ssettag $0x2  }
0xc6: {  	s0 =	rddreg [dreg:$0x0];
	s2 =	stileid.u32  }
0xc7: {  	s1 =	rddreg [dreg:$0x1];
	p0 =	sne.s32 s2, $0x0  }
0xc8: {  	s3 =	rddreg [dreg:$0x2];
	[bflag:$0x3] =	sbarrier.arrive $0xFFFF;
	s2 =	simm.s32 @!p0 $0x1C03  }
0xc9: {  	[timem:s3], [sflag:s2] =	dma.local @!p0 [hbm:s0], s1  }
0xca: {  	s0 =	simm.s32 @!p0 $0x3  }
0xcb: {  	_ =	swait.ge @!p0 [sflag:s0], s1  }
0xcc: {  	s1 =	ssub.s32 @!p0 $0x0, s1;
	[sflag:s0] =	ssyncset.done @!p0 $0x0  }
0xcd: {  	[sflag:s0] =	ssyncadd.s32 @!p0 s1  }
0xce: {  	[bflag:$0x3] =	sbarrier.arrive $0xFFFF  }
0xcf: {  	_ =	shalt  }

</sc_bundles>
